<compile_context>
chip_gen: v7x
topology: tpu7x:2x2x1
jax: 0.10.2.dev20260603
libtpu: 0.0.44.dev20260713+nightly
codegen_flags: <defaults>
</compile_context>

<pallas_src>
import functools

import jax
import jax.numpy as jnp
from jax import lax
from jax.experimental import pallas as pl
from jax.experimental.pallas import tpu as pltpu
from jax.experimental.pallas import tpu_sc as plsc

_N_NODES = 10000
_N_EDGES = 320000
_D = 128
_N_GRAPHS = 64

_EW = 128
_TPS = 16
_NW = 32
_RPW = 80
_CHUNK = 40
_ROWS = _NW * _RPW
_N_PAD = _ROWS * _EW - _N_EDGES
_N_DUMMY = 16
_NPT = 624
_NPT_TAIL = _N_NODES - _NPT * _TPS


def _sc_agg(x, src2d, dst2d, zeros):
    mesh = plsc.VectorSubcoreMesh(core_axis_name="c", subcore_axis_name="s")

    @functools.partial(
        pl.kernel,
        out_type=jax.ShapeDtypeStruct((2 * _N_NODES, _D), jnp.float32),
        mesh=mesh,
        scratch_types=[
            pltpu.VMEM((_CHUNK, _EW), jnp.int32),
            pltpu.VMEM((_CHUNK, _EW), jnp.int32),
            pltpu.VMEM((_EW, _D), jnp.float32),
            pltpu.VMEM((_EW, _D), jnp.float32),
            pltpu.VMEM_SHARED((_N_NODES + _N_DUMMY, _D), jnp.float32),
            pltpu.SemaphoreType.DMA,
            pltpu.SemaphoreType.DMA,
        ],
    )
    def k(x_hbm, src_hbm, dst_hbm, zero_hbm, out_hbm,
          src_v, dst_v, buf0, buf1, agg, sem0, sem1):
        c = lax.axis_index("c")
        s = lax.axis_index("s")
        wid = c * _TPS + s

        pltpu.sync_copy(zero_hbm, agg.at[pl.ds(s * _NPT, _NPT)])

        @pl.when(s == 0)
        def _():
            pltpu.sync_copy(zero_hbm.at[pl.ds(0, _NPT_TAIL)],
                            agg.at[pl.ds(_TPS * _NPT, _NPT_TAIL)])

        plsc.subcore_barrier()

        def gather(j, buf, sem):
            pltpu.async_copy(x_hbm.at[src_v.at[j]], buf, sem)

        def gwait(j, buf, sem):
            pltpu.make_async_copy(x_hbm.at[src_v.at[j]], buf, sem).wait()

        for chunk in range(_RPW // _CHUNK):
            base = wid * _RPW + chunk * _CHUNK
            pltpu.sync_copy(src_hbm.at[pl.ds(base, _CHUNK)], src_v)
            pltpu.sync_copy(dst_hbm.at[pl.ds(base, _CHUNK)], dst_v)

            gather(0, buf0, sem0)

            def body(i, carry):
                j0 = 2 * i
                gather(j0 + 1, buf1, sem1)
                gwait(j0, buf0, sem0)
                pltpu.sync_copy(buf0, agg.at[dst_v.at[j0]], add=True)

                @pl.when(j0 + 2 < _CHUNK)
                def _():
                    gather(j0 + 2, buf0, sem0)

                gwait(j0 + 1, buf1, sem1)
                pltpu.sync_copy(buf1, agg.at[dst_v.at[j0 + 1]], add=True)
                return carry

            lax.fori_loop(0, _CHUNK // 2, body, 0)

        pltpu.sync_copy(buf0.at[pl.ds(0, _N_DUMMY)],
                        agg.at[pl.ds(_N_NODES, _N_DUMMY)])

        plsc.subcore_barrier()
        pl.delay(2000)

        off = c * _N_NODES + s * _NPT
        pltpu.sync_copy(agg.at[pl.ds(s * _NPT, _NPT)], out_hbm.at[pl.ds(off, _NPT)])

        @pl.when(s == 0)
        def _():
            pltpu.sync_copy(agg.at[pl.ds(_TPS * _NPT, _NPT_TAIL)],
                            out_hbm.at[pl.ds(c * _N_NODES + _TPS * _NPT, _NPT_TAIL)])

    return k(x, src2d, dst2d, zeros)


def _tc_head(x, aggs, W1, b1, W2, b2, eps, gamma, beta, ng, nb, batch_row):
    def body(x_ref, aggs_ref, w1_ref, b1_ref, w2_ref, b2_ref, eps_ref,
             g_ref, be_ref, ng_ref, nb_ref, batch_ref, o_ref):
        agg = aggs_ref[0:_N_NODES, :] + aggs_ref[_N_NODES:2 * _N_NODES, :]
        h = (1.0 + eps_ref[...]) * x_ref[...] + agg
        h = jnp.dot(h, w1_ref[...], preferred_element_type=jnp.float32) + b1_ref[...]
        h = jnp.maximum(h, 0.0)
        h = jnp.dot(h, w2_ref[...], preferred_element_type=jnp.float32) + b2_ref[...]
        sg = jnp.log1p(jnp.exp(g_ref[...]))
        sb = jnp.log1p(jnp.exp(be_ref[...]))
        h = (1.0 + sg * ng_ref[...]) * h + sb * nb_ref[...]
        h = h * jax.nn.sigmoid(h)
        oh = (batch_ref[...] == lax.broadcasted_iota(
            jnp.int32, (_N_GRAPHS, _N_NODES), 0)).astype(jnp.float32)
        sums = jnp.dot(oh, h, preferred_element_type=jnp.float32)
        counts = jnp.sum(oh, axis=1, keepdims=True)
        o_ref[...] = sums / jnp.maximum(counts, 1.0)

    return pl.pallas_call(
        body,
        out_shape=jax.ShapeDtypeStruct((_N_GRAPHS, _D), jnp.float32),
    )(x, aggs, W1, b1, W2, b2, eps, gamma, beta, ng, nb, batch_row)


def kernel(x, edge_index, batch, W1, b1, W2, b2, eps, gamma, beta):
    e32 = edge_index.astype(jnp.int32)
    pad_src = jnp.arange(_N_PAD, dtype=jnp.int32) % _N_NODES
    pad_dst = _N_NODES + jnp.arange(_N_PAD, dtype=jnp.int32) % _N_DUMMY
    src2d = jnp.concatenate([e32[0], pad_src]).reshape(_ROWS, _EW)
    dst2d = jnp.concatenate([e32[1], pad_dst]).reshape(_ROWS, _EW)
    zeros = jnp.zeros((_NPT, _D), dtype=jnp.float32)

    aggs = _sc_agg(x, src2d, dst2d, zeros)

    nk = jax.random.key(42)
    ng = jax.random.normal(jax.random.fold_in(nk, 1), (1, _D), dtype=jnp.float32)
    nb = jax.random.normal(jax.random.fold_in(nk, 2), (1, _D), dtype=jnp.float32)

    return _tc_head(x, aggs, W1, b1.reshape(1, _D), W2, b2.reshape(1, _D),
                    eps.reshape(1, 1), gamma.reshape(1, _D), beta.reshape(1, _D),
                    ng, nb, batch.astype(jnp.int32).reshape(1, _N_NODES))

# --- scband reference (transcript-rebuilt; emitter-appended) ---
"""Pipeline reference for scband-graph-encoder-18382460027182 (READ-ONLY COPY).

The authoritative reference and input builder live on the scoring server;
editing this copy changes nothing except your own understanding.
"""

import jax, jax.numpy as jnp
import numpy as np

N_NODES = 10000
N_EDGES = 320000
D_IN = 128
D_H = 128
N_GRAPHS = 64


def setup_inputs(seed: int = 0) -> dict:
    key = jax.random.key(seed)
    ks = jax.random.split(key, 10)
    x = jax.random.normal(ks[0], (N_NODES, D_IN), dtype=jnp.float32)
    edge_index = jax.random.randint(ks[1], (2, N_EDGES), 0, N_NODES, dtype=jnp.int64)
    batch = jnp.sort(jax.random.randint(ks[2], (N_NODES,), 0, N_GRAPHS, dtype=jnp.int64))
    # GIN MLP parameters (nn.Sequential(Linear(D_IN, D_H), ReLU, Linear(D_H, D_H)))
    W1 = jax.random.normal(ks[3], (D_IN, D_H), dtype=jnp.float32) * (1.0 / np.sqrt(D_IN))
    b1 = jnp.zeros((D_H,), dtype=jnp.float32)
    W2 = jax.random.normal(ks[4], (D_H, D_H), dtype=jnp.float32) * (1.0 / np.sqrt(D_H))
    b2 = jnp.zeros((D_H,), dtype=jnp.float32)
    # GINConv train_eps=True, initialized to 0
    eps = jnp.zeros((), dtype=jnp.float32)
    # FeatureWiseTransformationLayer params, initialized to 0
    gamma = jnp.zeros((D_H,), dtype=jnp.float32)
    beta = jnp.zeros((D_H,), dtype=jnp.float32)
    return {"x": x, "edge_index": edge_index, "batch": batch,
            "W1": W1, "b1": b1, "W2": W2, "b2": b2,
            "eps": eps, "gamma": gamma, "beta": beta}


def reference(x, edge_index, batch, W1, b1, W2, b2, eps, gamma, beta):
    src = edge_index[0]
    dst = edge_index[1]
    # GINConv: sum aggregation of neighbor features (gather + scatter-add)
    agg = jax.ops.segment_sum(jnp.take(x, src, axis=0), dst, num_segments=N_NODES)
    h = (1.0 + eps) * x + agg
    # GIN MLP
    h = h @ W1 + b1
    h = jax.nn.relu(h)
    h = h @ W2 + b2
    # FeatureWiseTransformationLayer: gamma_sample ~ N(1, softplus(gamma)), beta_sample ~ N(0, softplus(beta))
    # rsample((1,)) -> shape (1, D_H), broadcast over rows
    sg = jax.nn.softplus(gamma)
    sb = jax.nn.softplus(beta)
    nk = jax.random.key(42)
    noise_g = jax.random.normal(jax.random.fold_in(nk, 1), (1, D_H), dtype=jnp.float32)
    noise_b = jax.random.normal(jax.random.fold_in(nk, 2), (1, D_H), dtype=jnp.float32)
    gamma_sample = 1.0 + sg * noise_g
    beta_sample = 0.0 + sb * noise_b
    h = gamma_sample * h + beta_sample
    # SiLU
    h = h * jax.nn.sigmoid(h)
    # global_mean_pool (segment mean over graph ids)
    sums = jax.ops.segment_sum(h, batch, num_segments=N_GRAPHS)
    counts = jax.ops.segment_sum(jnp.ones((h.shape[0], 1), dtype=h.dtype), batch, num_segments=N_GRAPHS)
    return sums / jnp.maximum(counts, 1.0)

if __name__ == "__main__":
    import jax
    _d = setup_inputs()
    print(jax.jit(kernel)(*tuple(_d.values())))

</pallas_src>

<mosaic_0001>
#map = affine_map<(d0, d1) -> (0, 0)>
module attributes {stable_mosaic.version = 14 : i64} {
  func.func @k(%arg0: i32, %arg1: i32, %arg2: memref<10000x128xf32, #tpu.memory_space<hbm>>, %arg3: memref<2560x128xi32, #tpu.memory_space<hbm>>, %arg4: memref<2560x128xi32, #tpu.memory_space<hbm>>, %arg5: memref<624x128xf32, #tpu.memory_space<hbm>>, %arg6: memref<20000x128xf32, #tpu.memory_space<hbm>>, %arg7: memref<40x128xi32, #tpu.memory_space<vmem>>, %arg8: memref<40x128xi32, #tpu.memory_space<vmem>>, %arg9: memref<128x128xf32, #tpu.memory_space<vmem>>, %arg10: memref<128x128xf32, #tpu.memory_space<vmem>>, %arg11: memref<10016x128xf32, #tpu.memory_space<vmem_shared>>, %arg12: memref<!tpu.dma_semaphore, #tpu.memory_space<semaphore_mem>>, %arg13: memref<!tpu.dma_semaphore, #tpu.memory_space<semaphore_mem>>) attributes {dimension_semantics = [#tpu.dimension_semantics<core_parallel>, #tpu.dimension_semantics<subcore_parallel>], iteration_bounds = array<i64: 2, 16>, scalar_prefetch = 0 : i64, scratch_operands = 7 : i64, tpu.core_type = #tpu.core_type<sc_vector_subcore>, window_params = [{transform_indices = #map}, {transform_indices = #map}, {transform_indices = #map}, {transform_indices = #map}, {transform_indices = #map}]} {
    %mul3A = arith.constant 16 : i32
    %mul3A_0 = arith.muli %arg0, %mul3A : i32
    %add3A = arith.addi %mul3A_0, %arg1 : i32
    %mul3A_1 = arith.constant 624 : i32
    %mul3A_2 = arith.muli %arg1, %mul3A_1 : i32
    "tpu.region"() ({
      %run_scoped3A = tpu.sem_alloc : memref<!tpu.dma_semaphore, #tpu.memory_space<semaphore_mem>>
      %dma_start3A_50 = arith.constant 0 : i32
      %dma_start3A_51 = tpu.memref_slice %arg11[%mul3A_2, %dma_start3A_50] : memref<10016x128xf32, #tpu.memory_space<vmem_shared>> -> memref<624x128xf32, #tpu.memory_space<vmem_shared>>
      tpu.enqueue_dma source(%arg5 : memref<624x128xf32, #tpu.memory_space<hbm>>) target(%dma_start3A_51 : memref<624x128xf32, #tpu.memory_space<vmem_shared>>) target_semaphore(%run_scoped3A : memref<!tpu.dma_semaphore, #tpu.memory_space<semaphore_mem>>)
      %dma_wait3A = arith.constant 0 : i32
      %dma_wait3A_52 = tpu.memref_slice %arg11[%mul3A_2, %dma_wait3A] : memref<10016x128xf32, #tpu.memory_space<vmem_shared>> -> memref<624x128xf32, #tpu.memory_space<vmem_shared>>
      tpu.wait_dma2 semaphore(%run_scoped3A : memref<!tpu.dma_semaphore, #tpu.memory_space<semaphore_mem>>) src(%arg5 : memref<624x128xf32, #tpu.memory_space<hbm>>) dst(%dma_wait3A_52 : memref<624x128xf32, #tpu.memory_space<vmem_shared>>)
      tpu.yield
    }) : () -> ()
    %eq3A = arith.constant 0 : i32
    %eq3A_3 = arith.cmpi eq, %arg1, %eq3A : i32
    %convert_element_type3A = arith.extui %eq3A_3 : i1 to i32
    %cond3A = arith.constant 0 : i32
    %cond3A_4 = arith.cmpi ne, %convert_element_type3A, %cond3A : i32
    scf.if %cond3A_4 {
      "tpu.region"() ({
        %run_scoped3A = tpu.sem_alloc : memref<!tpu.dma_semaphore, #tpu.memory_space<semaphore_mem>>
        %dma_start3A_50 = arith.constant 9984 : i32
        %dma_start3A_51 = arith.constant 0 : i32
        %dma_start3A_52 = tpu.memref_slice %arg11[%dma_start3A_50, %dma_start3A_51] : memref<10016x128xf32, #tpu.memory_space<vmem_shared>> -> memref<16x128xf32, #tpu.memory_space<vmem_shared>>
        %dma_start3A_53 = arith.constant 0 : i32
        %dma_start3A_54 = arith.constant 0 : i32
        %dma_start3A_55 = tpu.memref_slice %arg5[%dma_start3A_53, %dma_start3A_54] : memref<624x128xf32, #tpu.memory_space<hbm>> -> memref<16x128xf32, #tpu.memory_space<hbm>>
        tpu.enqueue_dma source(%dma_start3A_55 : memref<16x128xf32, #tpu.memory_space<hbm>>) target(%dma_start3A_52 : memref<16x128xf32, #tpu.memory_space<vmem_shared>>) target_semaphore(%run_scoped3A : memref<!tpu.dma_semaphore, #tpu.memory_space<semaphore_mem>>)
        %dma_wait3A = arith.constant 9984 : i32
        %dma_wait3A_56 = arith.constant 0 : i32
        %dma_wait3A_57 = tpu.memref_slice %arg11[%dma_wait3A, %dma_wait3A_56] : memref<10016x128xf32, #tpu.memory_space<vmem_shared>> -> memref<16x128xf32, #tpu.memory_space<vmem_shared>>
        %dma_wait3A_58 = arith.constant 0 : i32
        %dma_wait3A_59 = arith.constant 0 : i32
        %dma_wait3A_60 = tpu.memref_slice %arg5[%dma_wait3A_58, %dma_wait3A_59] : memref<624x128xf32, #tpu.memory_space<hbm>> -> memref<16x128xf32, #tpu.memory_space<hbm>>
        tpu.wait_dma2 semaphore(%run_scoped3A : memref<!tpu.dma_semaphore, #tpu.memory_space<semaphore_mem>>) src(%dma_wait3A_60 : memref<16x128xf32, #tpu.memory_space<hbm>>) dst(%dma_wait3A_57 : memref<16x128xf32, #tpu.memory_space<vmem_shared>>)
        tpu.yield
      }) : () -> ()
    } else {
    }
    %barrier3A = arith.constant 0 : index
    tpu.barrier barrier_id(%barrier3A)
    %mul3A_5 = arith.constant 80 : i32
    %mul3A_6 = arith.muli %add3A, %mul3A_5 : i32
    %add3A_7 = arith.constant 0 : i32
    %add3A_8 = arith.addi %mul3A_6, %add3A_7 : i32
    "tpu.region"() ({
      %run_scoped3A = tpu.sem_alloc : memref<!tpu.dma_semaphore, #tpu.memory_space<semaphore_mem>>
      %dma_start3A_50 = arith.constant 0 : i32
      %dma_start3A_51 = tpu.memref_slice %arg3[%add3A_8, %dma_start3A_50] : memref<2560x128xi32, #tpu.memory_space<hbm>> -> memref<40x128xi32, #tpu.memory_space<hbm>>
      %dma_start3A_52 = arith.constant 0 : i32
      %dma_start3A_53 = tpu.memref_slice %arg3[%add3A_8, %dma_start3A_52] : memref<2560x128xi32, #tpu.memory_space<hbm>> -> memref<40x128xi32, #tpu.memory_space<hbm>>
      tpu.enqueue_dma source(%dma_start3A_53 : memref<40x128xi32, #tpu.memory_space<hbm>>) target(%arg7 : memref<40x128xi32, #tpu.memory_space<vmem>>) target_semaphore(%run_scoped3A : memref<!tpu.dma_semaphore, #tpu.memory_space<semaphore_mem>>)
      %dma_wait3A = arith.constant 0 : i32
      %dma_wait3A_54 = tpu.memref_slice %arg3[%add3A_8, %dma_wait3A] : memref<2560x128xi32, #tpu.memory_space<hbm>> -> memref<40x128xi32, #tpu.memory_space<hbm>>
      %dma_wait3A_55 = arith.constant 0 : i32
      %dma_wait3A_56 = tpu.memref_slice %arg3[%add3A_8, %dma_wait3A_55] : memref<2560x128xi32, #tpu.memory_space<hbm>> -> memref<40x128xi32, #tpu.memory_space<hbm>>
      tpu.wait_dma2 semaphore(%run_scoped3A : memref<!tpu.dma_semaphore, #tpu.memory_space<semaphore_mem>>) src(%dma_wait3A_56 : memref<40x128xi32, #tpu.memory_space<hbm>>) dst(%arg7 : memref<40x128xi32, #tpu.memory_space<vmem>>)
      tpu.yield
    }) : () -> ()
    "tpu.region"() ({
      %run_scoped3A = tpu.sem_alloc : memref<!tpu.dma_semaphore, #tpu.memory_space<semaphore_mem>>
      %dma_start3A_50 = arith.constant 0 : i32
      %dma_start3A_51 = tpu.memref_slice %arg4[%add3A_8, %dma_start3A_50] : memref<2560x128xi32, #tpu.memory_space<hbm>> -> memref<40x128xi32, #tpu.memory_space<hbm>>
      %dma_start3A_52 = arith.constant 0 : i32
      %dma_start3A_53 = tpu.memref_slice %arg4[%add3A_8, %dma_start3A_52] : memref<2560x128xi32, #tpu.memory_space<hbm>> -> memref<40x128xi32, #tpu.memory_space<hbm>>
      tpu.enqueue_dma source(%dma_start3A_53 : memref<40x128xi32, #tpu.memory_space<hbm>>) target(%arg8 : memref<40x128xi32, #tpu.memory_space<vmem>>) target_semaphore(%run_scoped3A : memref<!tpu.dma_semaphore, #tpu.memory_space<semaphore_mem>>)
      %dma_wait3A = arith.constant 0 : i32
      %dma_wait3A_54 = tpu.memref_slice %arg4[%add3A_8, %dma_wait3A] : memref<2560x128xi32, #tpu.memory_space<hbm>> -> memref<40x128xi32, #tpu.memory_space<hbm>>
      %dma_wait3A_55 = arith.constant 0 : i32
      %dma_wait3A_56 = tpu.memref_slice %arg4[%add3A_8, %dma_wait3A_55] : memref<2560x128xi32, #tpu.memory_space<hbm>> -> memref<40x128xi32, #tpu.memory_space<hbm>>
      tpu.wait_dma2 semaphore(%run_scoped3A : memref<!tpu.dma_semaphore, #tpu.memory_space<semaphore_mem>>) src(%dma_wait3A_56 : memref<40x128xi32, #tpu.memory_space<hbm>>) dst(%arg8 : memref<40x128xi32, #tpu.memory_space<vmem>>)
      tpu.yield
    }) : () -> ()
    %dma_start3A = arith.constant 0 : i32
    %dma_start3A_9 = arith.constant 0 : i32
    %dma_start3A_10 = tpu.memref_slice %arg7[%dma_start3A, %dma_start3A_9] : memref<40x128xi32, #tpu.memory_space<vmem>> -> memref<1x128xi32, #tpu.memory_space<vmem>>
    %dma_start3A_11 = tpu.memref_squeeze %dma_start3A_10 : memref<1x128xi32, #tpu.memory_space<vmem>> -> memref<128xi32, #tpu.memory_space<vmem>>
    %dma_start3A_12 = arith.constant 0 : i32
    %dma_start3A_13 = arith.constant 0 : i32
    %dma_start3A_14 = tpu.memref_slice %arg2[%dma_start3A_12, %dma_start3A_13] : memref<10000x128xf32, #tpu.memory_space<hbm>> -> memref<10000x128xf32, #tpu.memory_space<hbm>>
    tpu.enqueue_indirect_dma source(%dma_start3A_14 : memref<10000x128xf32, #tpu.memory_space<hbm>>) target(%arg9 : memref<128x128xf32, #tpu.memory_space<vmem>>) offsets(%dma_start3A_11 : memref<128xi32, #tpu.memory_space<vmem>>) semaphore(%arg12 : memref<!tpu.dma_semaphore, #tpu.memory_space<semaphore_mem>>)
    %scan3A = arith.constant 0 : i32
    %scan3A_15 = arith.constant 0 : i32
    %scan3A_16 = arith.constant 20 : i32
    %scan3A_17 = arith.addi %scan3A_15, %scan3A_16 : i32
    %scan3A_18 = arith.constant 1 : i32
    scf.for %scan3A_50 = %scan3A_15 to %scan3A_17 step %scan3A_18  : i32 {
      %mul3A_51 = arith.constant 2 : i32
      %mul3A_52 = arith.muli %mul3A_51, %scan3A_50 : i32
      %add3A_53 = arith.constant 1 : i32
      %add3A_54 = arith.addi %mul3A_52, %add3A_53 : i32
      %dma_start3A_55 = arith.constant 0 : i32
      %dma_start3A_56 = tpu.memref_slice %arg7[%add3A_54, %dma_start3A_55] : memref<40x128xi32, #tpu.memory_space<vmem>> -> memref<1x128xi32, #tpu.memory_space<vmem>>
      %dma_start3A_57 = tpu.memref_squeeze %dma_start3A_56 : memref<1x128xi32, #tpu.memory_space<vmem>> -> memref<128xi32, #tpu.memory_space<vmem>>
      %dma_start3A_58 = arith.constant 0 : i32
      %dma_start3A_59 = arith.constant 0 : i32
      %dma_start3A_60 = tpu.memref_slice %arg2[%dma_start3A_58, %dma_start3A_59] : memref<10000x128xf32, #tpu.memory_space<hbm>> -> memref<10000x128xf32, #tpu.memory_space<hbm>>
      tpu.enqueue_indirect_dma source(%dma_start3A_60 : memref<10000x128xf32, #tpu.memory_space<hbm>>) target(%arg10 : memref<128x128xf32, #tpu.memory_space<vmem>>) offsets(%dma_start3A_57 : memref<128xi32, #tpu.memory_space<vmem>>) semaphore(%arg13 : memref<!tpu.dma_semaphore, #tpu.memory_space<semaphore_mem>>)
      %dma_wait3A = arith.constant 0 : i32
      %dma_wait3A_61 = tpu.memref_slice %arg7[%mul3A_52, %dma_wait3A] : memref<40x128xi32, #tpu.memory_space<vmem>> -> memref<1x128xi32, #tpu.memory_space<vmem>>
      %dma_wait3A_62 = tpu.memref_squeeze %dma_wait3A_61 : memref<1x128xi32, #tpu.memory_space<vmem>> -> memref<128xi32, #tpu.memory_space<vmem>>
      %dma_wait3A_63 = arith.constant 0 : i32
      %dma_wait3A_64 = arith.constant 0 : i32
      %dma_wait3A_65 = tpu.memref_slice %arg2[%dma_wait3A_63, %dma_wait3A_64] : memref<10000x128xf32, #tpu.memory_space<hbm>> -> memref<10000x128xf32, #tpu.memory_space<hbm>>
      tpu.wait_indirect_dma semaphore(%arg12 : memref<!tpu.dma_semaphore, #tpu.memory_space<semaphore_mem>>) src(%dma_wait3A_65 : memref<10000x128xf32, #tpu.memory_space<hbm>>) dst(%arg9 : memref<128x128xf32, #tpu.memory_space<vmem>>)
      "tpu.region"() ({
        %run_scoped3A = tpu.sem_alloc : memref<!tpu.dma_semaphore, #tpu.memory_space<semaphore_mem>>
        %dma_start3A_82 = arith.constant 0 : i32
        %dma_start3A_83 = tpu.memref_slice %arg8[%mul3A_52, %dma_start3A_82] : memref<40x128xi32, #tpu.memory_space<vmem>> -> memref<1x128xi32, #tpu.memory_space<vmem>>
        %dma_start3A_84 = tpu.memref_squeeze %dma_start3A_83 : memref<1x128xi32, #tpu.memory_space<vmem>> -> memref<128xi32, #tpu.memory_space<vmem>>
        %dma_start3A_85 = arith.constant 0 : i32
        %dma_start3A_86 = arith.constant 0 : i32
        %dma_start3A_87 = tpu.memref_slice %arg11[%dma_start3A_85, %dma_start3A_86] : memref<10016x128xf32, #tpu.memory_space<vmem_shared>> -> memref<10016x128xf32, #tpu.memory_space<vmem_shared>>
        tpu.enqueue_indirect_dma source(%arg9 : memref<128x128xf32, #tpu.memory_space<vmem>>) target(%dma_start3A_87 : memref<10016x128xf32, #tpu.memory_space<vmem_shared>>) offsets(%dma_start3A_84 : memref<128xi32, #tpu.memory_space<vmem>>) semaphore(%run_scoped3A : memref<!tpu.dma_semaphore, #tpu.memory_space<semaphore_mem>>) {add = true}
        %dma_wait3A_88 = arith.constant 0 : i32
        %dma_wait3A_89 = tpu.memref_slice %arg8[%mul3A_52, %dma_wait3A_88] : memref<40x128xi32, #tpu.memory_space<vmem>> -> memref<1x128xi32, #tpu.memory_space<vmem>>
        %dma_wait3A_90 = tpu.memref_squeeze %dma_wait3A_89 : memref<1x128xi32, #tpu.memory_space<vmem>> -> memref<128xi32, #tpu.memory_space<vmem>>
        %dma_wait3A_91 = arith.constant 0 : i32
        %dma_wait3A_92 = arith.constant 0 : i32
        %dma_wait3A_93 = tpu.memref_slice %arg11[%dma_wait3A_91, %dma_wait3A_92] : memref<10016x128xf32, #tpu.memory_space<vmem_shared>> -> memref<10016x128xf32, #tpu.memory_space<vmem_shared>>
        tpu.wait_indirect_dma semaphore(%run_scoped3A : memref<!tpu.dma_semaphore, #tpu.memory_space<semaphore_mem>>) src(%arg9 : memref<128x128xf32, #tpu.memory_space<vmem>>) dst(%dma_wait3A_93 : memref<10016x128xf32, #tpu.memory_space<vmem_shared>>)
        tpu.yield
      }) : () -> ()
      %add3A_66 = arith.constant 2 : i32
      %add3A_67 = arith.addi %mul3A_52, %add3A_66 : i32
      %lt3A = arith.constant 40 : i32
      %lt3A_68 = arith.cmpi slt, %add3A_67, %lt3A : i32
      %convert_element_type3A_69 = arith.extui %lt3A_68 : i1 to i32
      %cond3A_70 = arith.constant 0 : i32
      %cond3A_71 = arith.cmpi ne, %convert_element_type3A_69, %cond3A_70 : i32
      scf.if %cond3A_71 {
        %add3A_82 = arith.constant 2 : i32
        %add3A_83 = arith.addi %mul3A_52, %add3A_82 : i32
        %dma_start3A_84 = arith.constant 0 : i32
        %dma_start3A_85 = tpu.memref_slice %arg7[%add3A_83, %dma_start3A_84] : memref<40x128xi32, #tpu.memory_space<vmem>> -> memref<1x128xi32, #tpu.memory_space<vmem>>
        %dma_start3A_86 = tpu.memref_squeeze %dma_start3A_85 : memref<1x128xi32, #tpu.memory_space<vmem>> -> memref<128xi32, #tpu.memory_space<vmem>>
        %dma_start3A_87 = arith.constant 0 : i32
        %dma_start3A_88 = arith.constant 0 : i32
        %dma_start3A_89 = tpu.memref_slice %arg2[%dma_start3A_87, %dma_start3A_88] : memref<10000x128xf32, #tpu.memory_space<hbm>> -> memref<10000x128xf32, #tpu.memory_space<hbm>>
        tpu.enqueue_indirect_dma source(%dma_start3A_89 : memref<10000x128xf32, #tpu.memory_space<hbm>>) target(%arg9 : memref<128x128xf32, #tpu.memory_space<vmem>>) offsets(%dma_start3A_86 : memref<128xi32, #tpu.memory_space<vmem>>) semaphore(%arg12 : memref<!tpu.dma_semaphore, #tpu.memory_space<semaphore_mem>>)
      } else {
      }
      %add3A_72 = arith.constant 1 : i32
      %add3A_73 = arith.addi %mul3A_52, %add3A_72 : i32
      %dma_wait3A_74 = arith.constant 0 : i32
      %dma_wait3A_75 = tpu.memref_slice %arg7[%add3A_73, %dma_wait3A_74] : memref<40x128xi32, #tpu.memory_space<vmem>> -> memref<1x128xi32, #tpu.memory_space<vmem>>
      %dma_wait3A_76 = tpu.memref_squeeze %dma_wait3A_75 : memref<1x128xi32, #tpu.memory_space<vmem>> -> memref<128xi32, #tpu.memory_space<vmem>>
      %dma_wait3A_77 = arith.constant 0 : i32
      %dma_wait3A_78 = arith.constant 0 : i32
      %dma_wait3A_79 = tpu.memref_slice %arg2[%dma_wait3A_77, %dma_wait3A_78] : memref<10000x128xf32, #tpu.memory_space<hbm>> -> memref<10000x128xf32, #tpu.memory_space<hbm>>
      tpu.wait_indirect_dma semaphore(%arg13 : memref<!tpu.dma_semaphore, #tpu.memory_space<semaphore_mem>>) src(%dma_wait3A_79 : memref<10000x128xf32, #tpu.memory_space<hbm>>) dst(%arg10 : memref<128x128xf32, #tpu.memory_space<vmem>>)
      %add3A_80 = arith.constant 1 : i32
      %add3A_81 = arith.addi %mul3A_52, %add3A_80 : i32
      "tpu.region"() ({
        %run_scoped3A = tpu.sem_alloc : memref<!tpu.dma_semaphore, #tpu.memory_space<semaphore_mem>>
        %dma_start3A_82 = arith.constant 0 : i32
        %dma_start3A_83 = tpu.memref_slice %arg8[%add3A_81, %dma_start3A_82] : memref<40x128xi32, #tpu.memory_space<vmem>> -> memref<1x128xi32, #tpu.memory_space<vmem>>
        %dma_start3A_84 = tpu.memref_squeeze %dma_start3A_83 : memref<1x128xi32, #tpu.memory_space<vmem>> -> memref<128xi32, #tpu.memory_space<vmem>>
        %dma_start3A_85 = arith.constant 0 : i32
        %dma_start3A_86 = arith.constant 0 : i32
        %dma_start3A_87 = tpu.memref_slice %arg11[%dma_start3A_85, %dma_start3A_86] : memref<10016x128xf32, #tpu.memory_space<vmem_shared>> -> memref<10016x128xf32, #tpu.memory_space<vmem_shared>>
        tpu.enqueue_indirect_dma source(%arg10 : memref<128x128xf32, #tpu.memory_space<vmem>>) target(%dma_start3A_87 : memref<10016x128xf32, #tpu.memory_space<vmem_shared>>) offsets(%dma_start3A_84 : memref<128xi32, #tpu.memory_space<vmem>>) semaphore(%run_scoped3A : memref<!tpu.dma_semaphore, #tpu.memory_space<semaphore_mem>>) {add = true}
        %dma_wait3A_88 = arith.constant 0 : i32
        %dma_wait3A_89 = tpu.memref_slice %arg8[%add3A_81, %dma_wait3A_88] : memref<40x128xi32, #tpu.memory_space<vmem>> -> memref<1x128xi32, #tpu.memory_space<vmem>>
        %dma_wait3A_90 = tpu.memref_squeeze %dma_wait3A_89 : memref<1x128xi32, #tpu.memory_space<vmem>> -> memref<128xi32, #tpu.memory_space<vmem>>
        %dma_wait3A_91 = arith.constant 0 : i32
        %dma_wait3A_92 = arith.constant 0 : i32
        %dma_wait3A_93 = tpu.memref_slice %arg11[%dma_wait3A_91, %dma_wait3A_92] : memref<10016x128xf32, #tpu.memory_space<vmem_shared>> -> memref<10016x128xf32, #tpu.memory_space<vmem_shared>>
        tpu.wait_indirect_dma semaphore(%run_scoped3A : memref<!tpu.dma_semaphore, #tpu.memory_space<semaphore_mem>>) src(%arg10 : memref<128x128xf32, #tpu.memory_space<vmem>>) dst(%dma_wait3A_93 : memref<10016x128xf32, #tpu.memory_space<vmem_shared>>)
        tpu.yield
      }) : () -> ()
    }
    %scan3A_19 = arith.constant 20 : i32
    %mul3A_20 = arith.constant 80 : i32
    %mul3A_21 = arith.muli %add3A, %mul3A_20 : i32
    %add3A_22 = arith.constant 40 : i32
    %add3A_23 = arith.addi %mul3A_21, %add3A_22 : i32
    "tpu.region"() ({
      %run_scoped3A = tpu.sem_alloc : memref<!tpu.dma_semaphore, #tpu.memory_space<semaphore_mem>>
      %dma_start3A_50 = arith.constant 0 : i32
      %dma_start3A_51 = tpu.memref_slice %arg3[%add3A_23, %dma_start3A_50] : memref<2560x128xi32, #tpu.memory_space<hbm>> -> memref<40x128xi32, #tpu.memory_space<hbm>>
      %dma_start3A_52 = arith.constant 0 : i32
      %dma_start3A_53 = tpu.memref_slice %arg3[%add3A_23, %dma_start3A_52] : memref<2560x128xi32, #tpu.memory_space<hbm>> -> memref<40x128xi32, #tpu.memory_space<hbm>>
      tpu.enqueue_dma source(%dma_start3A_53 : memref<40x128xi32, #tpu.memory_space<hbm>>) target(%arg7 : memref<40x128xi32, #tpu.memory_space<vmem>>) target_semaphore(%run_scoped3A : memref<!tpu.dma_semaphore, #tpu.memory_space<semaphore_mem>>)
      %dma_wait3A = arith.constant 0 : i32
      %dma_wait3A_54 = tpu.memref_slice %arg3[%add3A_23, %dma_wait3A] : memref<2560x128xi32, #tpu.memory_space<hbm>> -> memref<40x128xi32, #tpu.memory_space<hbm>>
      %dma_wait3A_55 = arith.constant 0 : i32
      %dma_wait3A_56 = tpu.memref_slice %arg3[%add3A_23, %dma_wait3A_55] : memref<2560x128xi32, #tpu.memory_space<hbm>> -> memref<40x128xi32, #tpu.memory_space<hbm>>
      tpu.wait_dma2 semaphore(%run_scoped3A : memref<!tpu.dma_semaphore, #tpu.memory_space<semaphore_mem>>) src(%dma_wait3A_56 : memref<40x128xi32, #tpu.memory_space<hbm>>) dst(%arg7 : memref<40x128xi32, #tpu.memory_space<vmem>>)
      tpu.yield
    }) : () -> ()
    "tpu.region"() ({
      %run_scoped3A = tpu.sem_alloc : memref<!tpu.dma_semaphore, #tpu.memory_space<semaphore_mem>>
      %dma_start3A_50 = arith.constant 0 : i32
      %dma_start3A_51 = tpu.memref_slice %arg4[%add3A_23, %dma_start3A_50] : memref<2560x128xi32, #tpu.memory_space<hbm>> -> memref<40x128xi32, #tpu.memory_space<hbm>>
      %dma_start3A_52 = arith.constant 0 : i32
      %dma_start3A_53 = tpu.memref_slice %arg4[%add3A_23, %dma_start3A_52] : memref<2560x128xi32, #tpu.memory_space<hbm>> -> memref<40x128xi32, #tpu.memory_space<hbm>>
      tpu.enqueue_dma source(%dma_start3A_53 : memref<40x128xi32, #tpu.memory_space<hbm>>) target(%arg8 : memref<40x128xi32, #tpu.memory_space<vmem>>) target_semaphore(%run_scoped3A : memref<!tpu.dma_semaphore, #tpu.memory_space<semaphore_mem>>)
      %dma_wait3A = arith.constant 0 : i32
      %dma_wait3A_54 = tpu.memref_slice %arg4[%add3A_23, %dma_wait3A] : memref<2560x128xi32, #tpu.memory_space<hbm>> -> memref<40x128xi32, #tpu.memory_space<hbm>>
      %dma_wait3A_55 = arith.constant 0 : i32
      %dma_wait3A_56 = tpu.memref_slice %arg4[%add3A_23, %dma_wait3A_55] : memref<2560x128xi32, #tpu.memory_space<hbm>> -> memref<40x128xi32, #tpu.memory_space<hbm>>
      tpu.wait_dma2 semaphore(%run_scoped3A : memref<!tpu.dma_semaphore, #tpu.memory_space<semaphore_mem>>) src(%dma_wait3A_56 : memref<40x128xi32, #tpu.memory_space<hbm>>) dst(%arg8 : memref<40x128xi32, #tpu.memory_space<vmem>>)
      tpu.yield
    }) : () -> ()
    %dma_start3A_24 = arith.constant 0 : i32
    %dma_start3A_25 = arith.constant 0 : i32
    %dma_start3A_26 = tpu.memref_slice %arg7[%dma_start3A_24, %dma_start3A_25] : memref<40x128xi32, #tpu.memory_space<vmem>> -> memref<1x128xi32, #tpu.memory_space<vmem>>
    %dma_start3A_27 = tpu.memref_squeeze %dma_start3A_26 : memref<1x128xi32, #tpu.memory_space<vmem>> -> memref<128xi32, #tpu.memory_space<vmem>>
    %dma_start3A_28 = arith.constant 0 : i32
    %dma_start3A_29 = arith.constant 0 : i32
    %dma_start3A_30 = tpu.memref_slice %arg2[%dma_start3A_28, %dma_start3A_29] : memref<10000x128xf32, #tpu.memory_space<hbm>> -> memref<10000x128xf32, #tpu.memory_space<hbm>>
    tpu.enqueue_indirect_dma source(%dma_start3A_30 : memref<10000x128xf32, #tpu.memory_space<hbm>>) target(%arg9 : memref<128x128xf32, #tpu.memory_space<vmem>>) offsets(%dma_start3A_27 : memref<128xi32, #tpu.memory_space<vmem>>) semaphore(%arg12 : memref<!tpu.dma_semaphore, #tpu.memory_space<semaphore_mem>>)
    %scan3A_31 = arith.constant 0 : i32
    %scan3A_32 = arith.constant 0 : i32
    %scan3A_33 = arith.constant 20 : i32
    %scan3A_34 = arith.addi %scan3A_32, %scan3A_33 : i32
    %scan3A_35 = arith.constant 1 : i32
    scf.for %scan3A_50 = %scan3A_32 to %scan3A_34 step %scan3A_35  : i32 {
      %mul3A_51 = arith.constant 2 : i32
      %mul3A_52 = arith.muli %mul3A_51, %scan3A_50 : i32
      %add3A_53 = arith.constant 1 : i32
      %add3A_54 = arith.addi %mul3A_52, %add3A_53 : i32
      %dma_start3A_55 = arith.constant 0 : i32
      %dma_start3A_56 = tpu.memref_slice %arg7[%add3A_54, %dma_start3A_55] : memref<40x128xi32, #tpu.memory_space<vmem>> -> memref<1x128xi32, #tpu.memory_space<vmem>>
      %dma_start3A_57 = tpu.memref_squeeze %dma_start3A_56 : memref<1x128xi32, #tpu.memory_space<vmem>> -> memref<128xi32, #tpu.memory_space<vmem>>
      %dma_start3A_58 = arith.constant 0 : i32
      %dma_start3A_59 = arith.constant 0 : i32
      %dma_start3A_60 = tpu.memref_slice %arg2[%dma_start3A_58, %dma_start3A_59] : memref<10000x128xf32, #tpu.memory_space<hbm>> -> memref<10000x128xf32, #tpu.memory_space<hbm>>
      tpu.enqueue_indirect_dma source(%dma_start3A_60 : memref<10000x128xf32, #tpu.memory_space<hbm>>) target(%arg10 : memref<128x128xf32, #tpu.memory_space<vmem>>) offsets(%dma_start3A_57 : memref<128xi32, #tpu.memory_space<vmem>>) semaphore(%arg13 : memref<!tpu.dma_semaphore, #tpu.memory_space<semaphore_mem>>)
      %dma_wait3A = arith.constant 0 : i32
      %dma_wait3A_61 = tpu.memref_slice %arg7[%mul3A_52, %dma_wait3A] : memref<40x128xi32, #tpu.memory_space<vmem>> -> memref<1x128xi32, #tpu.memory_space<vmem>>
      %dma_wait3A_62 = tpu.memref_squeeze %dma_wait3A_61 : memref<1x128xi32, #tpu.memory_space<vmem>> -> memref<128xi32, #tpu.memory_space<vmem>>
      %dma_wait3A_63 = arith.constant 0 : i32
      %dma_wait3A_64 = arith.constant 0 : i32
      %dma_wait3A_65 = tpu.memref_slice %arg2[%dma_wait3A_63, %dma_wait3A_64] : memref<10000x128xf32, #tpu.memory_space<hbm>> -> memref<10000x128xf32, #tpu.memory_space<hbm>>
      tpu.wait_indirect_dma semaphore(%arg12 : memref<!tpu.dma_semaphore, #tpu.memory_space<semaphore_mem>>) src(%dma_wait3A_65 : memref<10000x128xf32, #tpu.memory_space<hbm>>) dst(%arg9 : memref<128x128xf32, #tpu.memory_space<vmem>>)
      "tpu.region"() ({
        %run_scoped3A = tpu.sem_alloc : memref<!tpu.dma_semaphore, #tpu.memory_space<semaphore_mem>>
        %dma_start3A_82 = arith.constant 0 : i32
        %dma_start3A_83 = tpu.memref_slice %arg8[%mul3A_52, %dma_start3A_82] : memref<40x128xi32, #tpu.memory_space<vmem>> -> memref<1x128xi32, #tpu.memory_space<vmem>>
        %dma_start3A_84 = tpu.memref_squeeze %dma_start3A_83 : memref<1x128xi32, #tpu.memory_space<vmem>> -> memref<128xi32, #tpu.memory_space<vmem>>
        %dma_start3A_85 = arith.constant 0 : i32
        %dma_start3A_86 = arith.constant 0 : i32
        %dma_start3A_87 = tpu.memref_slice %arg11[%dma_start3A_85, %dma_start3A_86] : memref<10016x128xf32, #tpu.memory_space<vmem_shared>> -> memref<10016x128xf32, #tpu.memory_space<vmem_shared>>
        tpu.enqueue_indirect_dma source(%arg9 : memref<128x128xf32, #tpu.memory_space<vmem>>) target(%dma_start3A_87 : memref<10016x128xf32, #tpu.memory_space<vmem_shared>>) offsets(%dma_start3A_84 : memref<128xi32, #tpu.memory_space<vmem>>) semaphore(%run_scoped3A : memref<!tpu.dma_semaphore, #tpu.memory_space<semaphore_mem>>) {add = true}
        %dma_wait3A_88 = arith.constant 0 : i32
        %dma_wait3A_89 = tpu.memref_slice %arg8[%mul3A_52, %dma_wait3A_88] : memref<40x128xi32, #tpu.memory_space<vmem>> -> memref<1x128xi32, #tpu.memory_space<vmem>>
        %dma_wait3A_90 = tpu.memref_squeeze %dma_wait3A_89 : memref<1x128xi32, #tpu.memory_space<vmem>> -> memref<128xi32, #tpu.memory_space<vmem>>
        %dma_wait3A_91 = arith.constant 0 : i32
        %dma_wait3A_92 = arith.constant 0 : i32
        %dma_wait3A_93 = tpu.memref_slice %arg11[%dma_wait3A_91, %dma_wait3A_92] : memref<10016x128xf32, #tpu.memory_space<vmem_shared>> -> memref<10016x128xf32, #tpu.memory_space<vmem_shared>>
        tpu.wait_indirect_dma semaphore(%run_scoped3A : memref<!tpu.dma_semaphore, #tpu.memory_space<semaphore_mem>>) src(%arg9 : memref<128x128xf32, #tpu.memory_space<vmem>>) dst(%dma_wait3A_93 : memref<10016x128xf32, #tpu.memory_space<vmem_shared>>)
        tpu.yield
      }) : () -> ()
      %add3A_66 = arith.constant 2 : i32
      %add3A_67 = arith.addi %mul3A_52, %add3A_66 : i32
      %lt3A = arith.constant 40 : i32
      %lt3A_68 = arith.cmpi slt, %add3A_67, %lt3A : i32
      %convert_element_type3A_69 = arith.extui %lt3A_68 : i1 to i32
      %cond3A_70 = arith.constant 0 : i32
      %cond3A_71 = arith.cmpi ne, %convert_element_type3A_69, %cond3A_70 : i32
      scf.if %cond3A_71 {
        %add3A_82 = arith.constant 2 : i32
        %add3A_83 = arith.addi %mul3A_52, %add3A_82 : i32
        %dma_start3A_84 = arith.constant 0 : i32
        %dma_start3A_85 = tpu.memref_slice %arg7[%add3A_83, %dma_start3A_84] : memref<40x128xi32, #tpu.memory_space<vmem>> -> memref<1x128xi32, #tpu.memory_space<vmem>>
        %dma_start3A_86 = tpu.memref_squeeze %dma_start3A_85 : memref<1x128xi32, #tpu.memory_space<vmem>> -> memref<128xi32, #tpu.memory_space<vmem>>
        %dma_start3A_87 = arith.constant 0 : i32
        %dma_start3A_88 = arith.constant 0 : i32
        %dma_start3A_89 = tpu.memref_slice %arg2[%dma_start3A_87, %dma_start3A_88] : memref<10000x128xf32, #tpu.memory_space<hbm>> -> memref<10000x128xf32, #tpu.memory_space<hbm>>
        tpu.enqueue_indirect_dma source(%dma_start3A_89 : memref<10000x128xf32, #tpu.memory_space<hbm>>) target(%arg9 : memref<128x128xf32, #tpu.memory_space<vmem>>) offsets(%dma_start3A_86 : memref<128xi32, #tpu.memory_space<vmem>>) semaphore(%arg12 : memref<!tpu.dma_semaphore, #tpu.memory_space<semaphore_mem>>)
      } else {
      }
      %add3A_72 = arith.constant 1 : i32
      %add3A_73 = arith.addi %mul3A_52, %add3A_72 : i32
      %dma_wait3A_74 = arith.constant 0 : i32
      %dma_wait3A_75 = tpu.memref_slice %arg7[%add3A_73, %dma_wait3A_74] : memref<40x128xi32, #tpu.memory_space<vmem>> -> memref<1x128xi32, #tpu.memory_space<vmem>>
      %dma_wait3A_76 = tpu.memref_squeeze %dma_wait3A_75 : memref<1x128xi32, #tpu.memory_space<vmem>> -> memref<128xi32, #tpu.memory_space<vmem>>
      %dma_wait3A_77 = arith.constant 0 : i32
      %dma_wait3A_78 = arith.constant 0 : i32
      %dma_wait3A_79 = tpu.memref_slice %arg2[%dma_wait3A_77, %dma_wait3A_78] : memref<10000x128xf32, #tpu.memory_space<hbm>> -> memref<10000x128xf32, #tpu.memory_space<hbm>>
      tpu.wait_indirect_dma semaphore(%arg13 : memref<!tpu.dma_semaphore, #tpu.memory_space<semaphore_mem>>) src(%dma_wait3A_79 : memref<10000x128xf32, #tpu.memory_space<hbm>>) dst(%arg10 : memref<128x128xf32, #tpu.memory_space<vmem>>)
      %add3A_80 = arith.constant 1 : i32
      %add3A_81 = arith.addi %mul3A_52, %add3A_80 : i32
      "tpu.region"() ({
        %run_scoped3A = tpu.sem_alloc : memref<!tpu.dma_semaphore, #tpu.memory_space<semaphore_mem>>
        %dma_start3A_82 = arith.constant 0 : i32
        %dma_start3A_83 = tpu.memref_slice %arg8[%add3A_81, %dma_start3A_82] : memref<40x128xi32, #tpu.memory_space<vmem>> -> memref<1x128xi32, #tpu.memory_space<vmem>>
        %dma_start3A_84 = tpu.memref_squeeze %dma_start3A_83 : memref<1x128xi32, #tpu.memory_space<vmem>> -> memref<128xi32, #tpu.memory_space<vmem>>
        %dma_start3A_85 = arith.constant 0 : i32
        %dma_start3A_86 = arith.constant 0 : i32
        %dma_start3A_87 = tpu.memref_slice %arg11[%dma_start3A_85, %dma_start3A_86] : memref<10016x128xf32, #tpu.memory_space<vmem_shared>> -> memref<10016x128xf32, #tpu.memory_space<vmem_shared>>
        tpu.enqueue_indirect_dma source(%arg10 : memref<128x128xf32, #tpu.memory_space<vmem>>) target(%dma_start3A_87 : memref<10016x128xf32, #tpu.memory_space<vmem_shared>>) offsets(%dma_start3A_84 : memref<128xi32, #tpu.memory_space<vmem>>) semaphore(%run_scoped3A : memref<!tpu.dma_semaphore, #tpu.memory_space<semaphore_mem>>) {add = true}
        %dma_wait3A_88 = arith.constant 0 : i32
        %dma_wait3A_89 = tpu.memref_slice %arg8[%add3A_81, %dma_wait3A_88] : memref<40x128xi32, #tpu.memory_space<vmem>> -> memref<1x128xi32, #tpu.memory_space<vmem>>
        %dma_wait3A_90 = tpu.memref_squeeze %dma_wait3A_89 : memref<1x128xi32, #tpu.memory_space<vmem>> -> memref<128xi32, #tpu.memory_space<vmem>>
        %dma_wait3A_91 = arith.constant 0 : i32
        %dma_wait3A_92 = arith.constant 0 : i32
        %dma_wait3A_93 = tpu.memref_slice %arg11[%dma_wait3A_91, %dma_wait3A_92] : memref<10016x128xf32, #tpu.memory_space<vmem_shared>> -> memref<10016x128xf32, #tpu.memory_space<vmem_shared>>
        tpu.wait_indirect_dma semaphore(%run_scoped3A : memref<!tpu.dma_semaphore, #tpu.memory_space<semaphore_mem>>) src(%arg10 : memref<128x128xf32, #tpu.memory_space<vmem>>) dst(%dma_wait3A_93 : memref<10016x128xf32, #tpu.memory_space<vmem_shared>>)
        tpu.yield
      }) : () -> ()
    }
    %scan3A_36 = arith.constant 20 : i32
    "tpu.region"() ({
      %run_scoped3A = tpu.sem_alloc : memref<!tpu.dma_semaphore, #tpu.memory_space<semaphore_mem>>
      %dma_start3A_50 = arith.constant 0 : i32
      %dma_start3A_51 = arith.constant 0 : i32
      %dma_start3A_52 = tpu.memref_slice %arg9[%dma_start3A_50, %dma_start3A_51] : memref<128x128xf32, #tpu.memory_space<vmem>> -> memref<16x128xf32, #tpu.memory_space<vmem>>
      %dma_start3A_53 = arith.constant 10000 : i32
      %dma_start3A_54 = arith.constant 0 : i32
      %dma_start3A_55 = tpu.memref_slice %arg11[%dma_start3A_53, %dma_start3A_54] : memref<10016x128xf32, #tpu.memory_space<vmem_shared>> -> memref<16x128xf32, #tpu.memory_space<vmem_shared>>
      %dma_start3A_56 = arith.constant 10000 : i32
      %dma_start3A_57 = arith.constant 0 : i32
      %dma_start3A_58 = tpu.memref_slice %arg11[%dma_start3A_56, %dma_start3A_57] : memref<10016x128xf32, #tpu.memory_space<vmem_shared>> -> memref<16x128xf32, #tpu.memory_space<vmem_shared>>
      %dma_start3A_59 = arith.constant 0 : i32
      %dma_start3A_60 = arith.constant 0 : i32
      %dma_start3A_61 = tpu.memref_slice %arg9[%dma_start3A_59, %dma_start3A_60] : memref<128x128xf32, #tpu.memory_space<vmem>> -> memref<16x128xf32, #tpu.memory_space<vmem>>
      tpu.enqueue_dma source(%dma_start3A_61 : memref<16x128xf32, #tpu.memory_space<vmem>>) target(%dma_start3A_58 : memref<16x128xf32, #tpu.memory_space<vmem_shared>>) target_semaphore(%run_scoped3A : memref<!tpu.dma_semaphore, #tpu.memory_space<semaphore_mem>>)
      %dma_wait3A = arith.constant 0 : i32
      %dma_wait3A_62 = arith.constant 0 : i32
      %dma_wait3A_63 = tpu.memref_slice %arg9[%dma_wait3A, %dma_wait3A_62] : memref<128x128xf32, #tpu.memory_space<vmem>> -> memref<16x128xf32, #tpu.memory_space<vmem>>
      %dma_wait3A_64 = arith.constant 10000 : i32
      %dma_wait3A_65 = arith.constant 0 : i32
      %dma_wait3A_66 = tpu.memref_slice %arg11[%dma_wait3A_64, %dma_wait3A_65] : memref<10016x128xf32, #tpu.memory_space<vmem_shared>> -> memref<16x128xf32, #tpu.memory_space<vmem_shared>>
      %dma_wait3A_67 = arith.constant 10000 : i32
      %dma_wait3A_68 = arith.constant 0 : i32
      %dma_wait3A_69 = tpu.memref_slice %arg11[%dma_wait3A_67, %dma_wait3A_68] : memref<10016x128xf32, #tpu.memory_space<vmem_shared>> -> memref<16x128xf32, #tpu.memory_space<vmem_shared>>
      %dma_wait3A_70 = arith.constant 0 : i32
      %dma_wait3A_71 = arith.constant 0 : i32
      %dma_wait3A_72 = tpu.memref_slice %arg9[%dma_wait3A_70, %dma_wait3A_71] : memref<128x128xf32, #tpu.memory_space<vmem>> -> memref<16x128xf32, #tpu.memory_space<vmem>>
      tpu.wait_dma2 semaphore(%run_scoped3A : memref<!tpu.dma_semaphore, #tpu.memory_space<semaphore_mem>>) src(%dma_wait3A_72 : memref<16x128xf32, #tpu.memory_space<vmem>>) dst(%dma_wait3A_69 : memref<16x128xf32, #tpu.memory_space<vmem_shared>>)
      tpu.yield
    }) : () -> ()
    %barrier3A_37 = arith.constant 0 : index
    tpu.barrier barrier_id(%barrier3A_37)
    %delay3A = arith.constant 2000 : i32
    tpu.delay %delay3A
    %mul3A_38 = arith.constant 10000 : i32
    %mul3A_39 = arith.muli %arg0, %mul3A_38 : i32
    %mul3A_40 = arith.constant 624 : i32
    %mul3A_41 = arith.muli %arg1, %mul3A_40 : i32
    %add3A_42 = arith.addi %mul3A_39, %mul3A_41 : i32
    %mul3A_43 = arith.constant 624 : i32
    %mul3A_44 = arith.muli %arg1, %mul3A_43 : i32
    "tpu.region"() ({
      %run_scoped3A = tpu.sem_alloc : memref<!tpu.dma_semaphore, #tpu.memory_space<semaphore_mem>>
      %dma_start3A_50 = arith.constant 0 : i32
      %dma_start3A_51 = tpu.memref_slice %arg6[%add3A_42, %dma_start3A_50] : memref<20000x128xf32, #tpu.memory_space<hbm>> -> memref<624x128xf32, #tpu.memory_space<hbm>>
      %dma_start3A_52 = arith.constant 0 : i32
      %dma_start3A_53 = tpu.memref_slice %arg11[%mul3A_44, %dma_start3A_52] : memref<10016x128xf32, #tpu.memory_space<vmem_shared>> -> memref<624x128xf32, #tpu.memory_space<vmem_shared>>
      tpu.enqueue_dma source(%dma_start3A_53 : memref<624x128xf32, #tpu.memory_space<vmem_shared>>) target(%dma_start3A_51 : memref<624x128xf32, #tpu.memory_space<hbm>>) target_semaphore(%run_scoped3A : memref<!tpu.dma_semaphore, #tpu.memory_space<semaphore_mem>>)
      %dma_wait3A = arith.constant 0 : i32
      %dma_wait3A_54 = tpu.memref_slice %arg6[%add3A_42, %dma_wait3A] : memref<20000x128xf32, #tpu.memory_space<hbm>> -> memref<624x128xf32, #tpu.memory_space<hbm>>
      %dma_wait3A_55 = arith.constant 0 : i32
      %dma_wait3A_56 = tpu.memref_slice %arg11[%mul3A_44, %dma_wait3A_55] : memref<10016x128xf32, #tpu.memory_space<vmem_shared>> -> memref<624x128xf32, #tpu.memory_space<vmem_shared>>
      tpu.wait_dma2 semaphore(%run_scoped3A : memref<!tpu.dma_semaphore, #tpu.memory_space<semaphore_mem>>) src(%dma_wait3A_56 : memref<624x128xf32, #tpu.memory_space<vmem_shared>>) dst(%dma_wait3A_54 : memref<624x128xf32, #tpu.memory_space<hbm>>)
      tpu.yield
    }) : () -> ()
    %eq3A_45 = arith.constant 0 : i32
    %eq3A_46 = arith.cmpi eq, %arg1, %eq3A_45 : i32
    %convert_element_type3A_47 = arith.extui %eq3A_46 : i1 to i32
    %cond3A_48 = arith.constant 0 : i32
    %cond3A_49 = arith.cmpi ne, %convert_element_type3A_47, %cond3A_48 : i32
    scf.if %cond3A_49 {
      %mul3A_50 = arith.constant 10000 : i32
      %mul3A_51 = arith.muli %arg0, %mul3A_50 : i32
      %add3A_52 = arith.constant 9984 : i32
      %add3A_53 = arith.addi %mul3A_51, %add3A_52 : i32
      "tpu.region"() ({
        %run_scoped3A = tpu.sem_alloc : memref<!tpu.dma_semaphore, #tpu.memory_space<semaphore_mem>>
        %dma_start3A_54 = arith.constant 0 : i32
        %dma_start3A_55 = tpu.memref_slice %arg6[%add3A_53, %dma_start3A_54] : memref<20000x128xf32, #tpu.memory_space<hbm>> -> memref<16x128xf32, #tpu.memory_space<hbm>>
        %dma_start3A_56 = arith.constant 9984 : i32
        %dma_start3A_57 = arith.constant 0 : i32
        %dma_start3A_58 = tpu.memref_slice %arg11[%dma_start3A_56, %dma_start3A_57] : memref<10016x128xf32, #tpu.memory_space<vmem_shared>> -> memref<16x128xf32, #tpu.memory_space<vmem_shared>>
        tpu.enqueue_dma source(%dma_start3A_58 : memref<16x128xf32, #tpu.memory_space<vmem_shared>>) target(%dma_start3A_55 : memref<16x128xf32, #tpu.memory_space<hbm>>) target_semaphore(%run_scoped3A : memref<!tpu.dma_semaphore, #tpu.memory_space<semaphore_mem>>)
        %dma_wait3A = arith.constant 0 : i32
        %dma_wait3A_59 = tpu.memref_slice %arg6[%add3A_53, %dma_wait3A] : memref<20000x128xf32, #tpu.memory_space<hbm>> -> memref<16x128xf32, #tpu.memory_space<hbm>>
        %dma_wait3A_60 = arith.constant 9984 : i32
        %dma_wait3A_61 = arith.constant 0 : i32
        %dma_wait3A_62 = tpu.memref_slice %arg11[%dma_wait3A_60, %dma_wait3A_61] : memref<10016x128xf32, #tpu.memory_space<vmem_shared>> -> memref<16x128xf32, #tpu.memory_space<vmem_shared>>
        tpu.wait_dma2 semaphore(%run_scoped3A : memref<!tpu.dma_semaphore, #tpu.memory_space<semaphore_mem>>) src(%dma_wait3A_62 : memref<16x128xf32, #tpu.memory_space<vmem_shared>>) dst(%dma_wait3A_59 : memref<16x128xf32, #tpu.memory_space<hbm>>)
        tpu.yield
      }) : () -> ()
    } else {
    }
    return
  }
}

module attributes {stable_mosaic.version = 14 : i64} {
  func.func @body(%arg0: memref<10000x128xf32, #tpu.memory_space<vmem>>, %arg1: memref<20000x128xf32, #tpu.memory_space<vmem>>, %arg2: memref<128x128xf32, #tpu.memory_space<vmem>>, %arg3: memref<1x128xf32, #tpu.memory_space<vmem>>, %arg4: memref<128x128xf32, #tpu.memory_space<vmem>>, %arg5: memref<1x128xf32, #tpu.memory_space<vmem>>, %arg6: memref<1x1xf32, #tpu.memory_space<vmem>>, %arg7: memref<1x128xf32, #tpu.memory_space<vmem>>, %arg8: memref<1x128xf32, #tpu.memory_space<vmem>>, %arg9: memref<1x128xf32, #tpu.memory_space<vmem>>, %arg10: memref<1x128xf32, #tpu.memory_space<vmem>>, %arg11: memref<1x10000xi32, #tpu.memory_space<vmem>>, %arg12: memref<64x128xf32, #tpu.memory_space<vmem>>) attributes {dimension_semantics = [], scalar_prefetch = 0 : i64, scratch_operands = 0 : i64, tpu.core_type = #tpu.core_type<tc>} {
    %get3A = arith.constant 0 : index
    %get3A_0 = arith.constant 0 : index
    %get3A_1 = vector.load %arg1[%get3A, %get3A_0] : memref<20000x128xf32, #tpu.memory_space<vmem>>, vector<10000x128xf32>
    %get3A_2 = arith.constant 10000 : index
    %get3A_3 = arith.constant 0 : index
    %get3A_4 = vector.load %arg1[%get3A_2, %get3A_3] : memref<20000x128xf32, #tpu.memory_space<vmem>>, vector<10000x128xf32>
    %add3A = arith.addf %get3A_1, %get3A_4 : vector<10000x128xf32>
    %get3A_5 = arith.constant 0 : index
    %get3A_6 = arith.constant 0 : index
    %get3A_7 = vector.load %arg6[%get3A_5, %get3A_6] : memref<1x1xf32, #tpu.memory_space<vmem>>, vector<1x1xf32>
    %add3A_8 = arith.constant 1.000000e+00 : f32
    %add3A_9 = vector.broadcast %add3A_8 : f32 to vector<1x1xf32>
    %add3A_10 = arith.addf %add3A_9, %get3A_7 : vector<1x1xf32>
    %get3A_11 = arith.constant 0 : index
    %get3A_12 = arith.constant 0 : index
    %get3A_13 = vector.load %arg0[%get3A_11, %get3A_12] : memref<10000x128xf32, #tpu.memory_space<vmem>>, vector<10000x128xf32>
    %mul3A = vector.broadcast %add3A_10 : vector<1x1xf32> to vector<10000x128xf32>
    %mul3A_14 = arith.mulf %mul3A, %get3A_13 : vector<10000x128xf32>
    %add3A_15 = arith.addf %mul3A_14, %add3A : vector<10000x128xf32>
    %get3A_16 = arith.constant 0 : index
    %get3A_17 = arith.constant 0 : index
    %get3A_18 = vector.load %arg2[%get3A_16, %get3A_17] : memref<128x128xf32, #tpu.memory_space<vmem>>, vector<128x128xf32>
    %dot_general3A = arith.constant dense<0.000000e+00> : vector<10000x128xf32>
    %dot_general3A_19 = tpu.matmul %add3A_15, %get3A_18, %dot_general3A {dimension_numbers = #tpu.dot_dimension_numbers<[1], [0], [0], [1], [0, 0, 1, 1], [], []>, transpose_lhs_hint = false} : vector<10000x128xf32>, vector<128x128xf32>, vector<10000x128xf32> -> vector<10000x128xf32>
    %get3A_20 = arith.constant 0 : index
    %get3A_21 = arith.constant 0 : index
    %get3A_22 = vector.load %arg3[%get3A_20, %get3A_21] : memref<1x128xf32, #tpu.memory_space<vmem>>, vector<1x128xf32>
    %add3A_23 = vector.broadcast %get3A_22 : vector<1x128xf32> to vector<10000x128xf32>
    %add3A_24 = arith.addf %dot_general3A_19, %add3A_23 : vector<10000x128xf32>
    %max3A = arith.constant 0.000000e+00 : f32
    %max3A_25 = vector.broadcast %max3A : f32 to vector<10000x128xf32>
    %max3A_26 = arith.maximumf %add3A_24, %max3A_25 : vector<10000x128xf32>
    %get3A_27 = arith.constant 0 : index
    %get3A_28 = arith.constant 0 : index
    %get3A_29 = vector.load %arg4[%get3A_27, %get3A_28] : memref<128x128xf32, #tpu.memory_space<vmem>>, vector<128x128xf32>
    %dot_general3A_30 = arith.constant dense<0.000000e+00> : vector<10000x128xf32>
    %dot_general3A_31 = tpu.matmul %max3A_26, %get3A_29, %dot_general3A_30 {dimension_numbers = #tpu.dot_dimension_numbers<[1], [0], [0], [1], [0, 0, 1, 1], [], []>, transpose_lhs_hint = false} : vector<10000x128xf32>, vector<128x128xf32>, vector<10000x128xf32> -> vector<10000x128xf32>
    %get3A_32 = arith.constant 0 : index
    %get3A_33 = arith.constant 0 : index
    %get3A_34 = vector.load %arg5[%get3A_32, %get3A_33] : memref<1x128xf32, #tpu.memory_space<vmem>>, vector<1x128xf32>
    %add3A_35 = vector.broadcast %get3A_34 : vector<1x128xf32> to vector<10000x128xf32>
    %add3A_36 = arith.addf %dot_general3A_31, %add3A_35 : vector<10000x128xf32>
    %get3A_37 = arith.constant 0 : index
    %get3A_38 = arith.constant 0 : index
    %get3A_39 = vector.load %arg7[%get3A_37, %get3A_38] : memref<1x128xf32, #tpu.memory_space<vmem>>, vector<1x128xf32>
    %exp3A = math.exp %get3A_39 : vector<1x128xf32>
    %log1p3A = math.log1p %exp3A : vector<1x128xf32>
    %get3A_40 = arith.constant 0 : index
    %get3A_41 = arith.constant 0 : index
    %get3A_42 = vector.load %arg8[%get3A_40, %get3A_41] : memref<1x128xf32, #tpu.memory_space<vmem>>, vector<1x128xf32>
    %exp3A_43 = math.exp %get3A_42 : vector<1x128xf32>
    %log1p3A_44 = math.log1p %exp3A_43 : vector<1x128xf32>
    %get3A_45 = arith.constant 0 : index
    %get3A_46 = arith.constant 0 : index
    %get3A_47 = vector.load %arg9[%get3A_45, %get3A_46] : memref<1x128xf32, #tpu.memory_space<vmem>>, vector<1x128xf32>
    %mul3A_48 = arith.mulf %log1p3A, %get3A_47 : vector<1x128xf32>
    %add3A_49 = arith.constant 1.000000e+00 : f32
    %add3A_50 = vector.broadcast %add3A_49 : f32 to vector<1x128xf32>
    %add3A_51 = arith.addf %add3A_50, %mul3A_48 : vector<1x128xf32>
    %mul3A_52 = vector.broadcast %add3A_51 : vector<1x128xf32> to vector<10000x128xf32>
    %mul3A_53 = arith.mulf %mul3A_52, %add3A_36 : vector<10000x128xf32>
    %get3A_54 = arith.constant 0 : index
    %get3A_55 = arith.constant 0 : index
    %get3A_56 = vector.load %arg10[%get3A_54, %get3A_55] : memref<1x128xf32, #tpu.memory_space<vmem>>, vector<1x128xf32>
    %mul3A_57 = arith.mulf %log1p3A_44, %get3A_56 : vector<1x128xf32>
    %add3A_58 = vector.broadcast %mul3A_57 : vector<1x128xf32> to vector<10000x128xf32>
    %add3A_59 = arith.addf %mul3A_53, %add3A_58 : vector<10000x128xf32>
    %logistic3A = arith.negf %add3A_59 : vector<10000x128xf32>
    %logistic3A_60 = math.exp %logistic3A : vector<10000x128xf32>
    %logistic3A_61 = arith.constant 1.000000e+00 : f32
    %logistic3A_62 = vector.broadcast %logistic3A_61 : f32 to vector<10000x128xf32>
    %logistic3A_63 = arith.addf %logistic3A_62, %logistic3A_60 : vector<10000x128xf32>
    %logistic3A_64 = arith.divf %logistic3A_62, %logistic3A_63 : vector<10000x128xf32>
    %mul3A_65 = arith.mulf %add3A_59, %logistic3A_64 : vector<10000x128xf32>
    %get3A_66 = arith.constant 0 : index
    %get3A_67 = arith.constant 0 : index
    %get3A_68 = vector.load %arg11[%get3A_66, %get3A_67] : memref<1x10000xi32, #tpu.memory_space<vmem>>, vector<1x10000xi32>
    %iota3A = tpu.iota {dimensions = array<i32: 0>} : vector<64x10000xi32>
    %eq3A = vector.broadcast %get3A_68 : vector<1x10000xi32> to vector<64x10000xi32>
    %eq3A_69 = arith.cmpi eq, %eq3A, %iota3A : vector<64x10000xi32>
    %convert_element_type3A = arith.extui %eq3A_69 : vector<64x10000xi1> to vector<64x10000xi32>
    %convert_element_type3A_70 = arith.sitofp %convert_element_type3A : vector<64x10000xi32> to vector<64x10000xf32>
    %dot_general3A_71 = arith.constant dense<0.000000e+00> : vector<64x128xf32>
    %dot_general3A_72 = tpu.matmul %convert_element_type3A_70, %mul3A_65, %dot_general3A_71 {dimension_numbers = #tpu.dot_dimension_numbers<[1], [0], [0], [1], [0, 0, 1, 1], [], []>, transpose_lhs_hint = false} : vector<64x10000xf32>, vector<10000x128xf32>, vector<64x128xf32> -> vector<64x128xf32>
    %reduce_sum3A = arith.constant dense<0.000000e+00> : vector<64xf32>
    %reduce_sum3A_73 = vector.multi_reduction <add>, %convert_element_type3A_70, %reduce_sum3A [1] : vector<64x10000xf32> to vector<64xf32>
    %broadcast_in_dim3A = vector.shape_cast %reduce_sum3A_73 : vector<64xf32> to vector<64x1xf32>
    %max3A_74 = arith.constant 1.000000e+00 : f32
    %max3A_75 = vector.broadcast %max3A_74 : f32 to vector<64x1xf32>
    %max3A_76 = arith.maximumf %broadcast_in_dim3A, %max3A_75 : vector<64x1xf32>
    %div3A = vector.broadcast %max3A_76 : vector<64x1xf32> to vector<64x128xf32>
    %div3A_77 = arith.divf %dot_general3A_72, %div3A : vector<64x128xf32>
    %swap3A = arith.constant 0 : index
    %swap3A_78 = arith.constant 0 : index
    %swap3A_79 = vector.load %arg12[%swap3A, %swap3A_78] : memref<64x128xf32, #tpu.memory_space<vmem>>, vector<64x128xf32>
    tpu.vector_store %arg12[%swap3A, %swap3A_78], %div3A_77 {strides = array<i32>} : memref<64x128xf32, #tpu.memory_space<vmem>>, vector<64x128xf32>,
    return
  }
}

</mosaic_0001>

<sc_bundles>
// kernel: kernel.4.cloned.1.call-start
scs
__scs_entry_jumppad:
0x0: {  	(pc) =	sbr.rel $0x88, $3  }
0x1: {  	(tag) =	ssettag $0x0;
	lr =	simm.s32 $0x1  }
0x2: {  	[smem:$0x3F97] =	sst lr;
	_ =	strace $0xD0000000  }
0x3: {  	_ = 	snop  }
0x4: {  	_ = 	snop  }
0x5: {  	_ = 	snop  }
0x6: {  	_ = 	snop  }
0x7: {  	_ = 	snop  }
__scs_overlays_trampoline_lowered:
0x8: {  	[smem:$0x3FA6] =	sst s0  }
0x9: {  	[smem:$0x3FA7] =	sst s1  }
0xa: {  	[smem:$0x3FA8] =	sst s2  }
0xb: {  	[smem:$0x3FA9] =	sst s3  }
0xc: {  	[smem:$0x3FAA] =	sst s4  }
0xd: {  	[smem:$0x3FAB] =	sst s5  }
0xe: {  	[smem:$0x3FAC] =	sst s6  }
0xf: {  	[smem:$0x3FAD] =	sst s7  }
0x10: {  	[smem:$0x3FAE] =	sst s8  }
0x11: {  	[smem:$0x3FAF] =	sst s9;
	s0 =	simm.s32 @!p0 $0x0  }
0x12: {  	s1 =	sld [smem:$0x3F95];
	s0 =	simm.s32 @p0 $0x1  }
0x13: {  	[smem:$0x3FB0] =	sst s0;
	s0 =	simm.s32 @!p1 $0x0  }
0x14: {  	s2 =	sld [smem:$0x3F94];
	s0 =	simm.s32 @p1 $0x1  }
0x15: {  	[smem:$0x3FB1] =	sst s0;
	s0 =	simm.s32 @!p2 $0x0  }
0x16: {  	s3 =	sld [smem:$0x3FDB];
	s0 =	simm.s32 @p2 $0x1  }
0x17: {  	s4 =	simm.s32 $0x1BF5;
	[smem:$0x3FB3] =	sst s0  }
0x18: {  	s0 =	sld [smem:$0x3F96];
	_ =	swait.ge [sflag:s4], $0x0  }
0x19: {  	s7 =	sld [smem:$0x3F97]  }
0x1a: {  	s8 =	sadd.s32 $0xFFFFE003, lr  }
0x1b: {  	s9 =	sadd.s32 $0xFFFFFEF7, lr;
	s5 =	simm.s32 $0xFFFFFFFF;
	p2 =	slt.u32 s8, $0xFFFFF086  }
0x1c: {  	p1 =	slt.u32 s9, $0xF7A;
	s5 =	simm.s32 @!p2 $0x0  }
0x1d: {  	s5 =	simm.s32 @p1 $0x1;
	p0 =	seq.s32 s7, s2  }
0x1e: {  	s7 =	smul.u32 @!p0 $0xF7A, s2;
	p2 =	seq.s32 @!p0 s5, $0x0  }
0x1f: {  	s9 =	smul.u32 $0xF7A, s1;
	s8 =	simm.s32 @!p0 $0x1BF5;
	p2 =	por !p2, p0  }
0x20: {  	[sflag:s8] =	ssyncset.s32 @!p0 $0xFFFFF086;
	s6 =	sadd.s32 @!p0 s3, s7;
	s7 =	simm.s32 @!p0 $0x108  }
0x21: {  	s3 =	sadd.s32 s3, s9;
	s6 =	sadd.s32 @!p0 $0x88, s6;
	s7 =	simm.s32 @p2 $0x1082  }
0x22: {  	[simem:s7], [sflag:s8] =	dma.local @!p0 [hbm:s6], $0xF7A  }
0x23: {  	s9 =	sor.u32 $0xD0000000, s2;
	s6 =	simm.s32 $0x108;
	_ =	swait.ge @!p0 [sflag:s8], $0x0  }
0x24: {  	s3 =	sadd.s32 $0x88, s3;
	s6 =	simm.s32 @!p1 $0x1082;
	[sflag:s4] =	ssyncset.s32 $0xFFFFF086  }
0x25: {  	[simem:s6], [sflag:s4] =	dma.local [hbm:s3], $0xF7A  }
0x26: {  	[smem:$0x3F97] =	sst s1;
	(tag) =	ssettag s2;
	_ =	strace s9  }
0x27: {  	s1 =	sld [smem:$0x3FA7]  }
0x28: {  	s2 =	sld [smem:$0x3FA8]  }
0x29: {  	s4 =	sld [smem:$0x3FAA]  }
0x2a: {  	p0 =	seq.s32 s5, $0x0;
	s5 =	sld [smem:$0x3FAB]  }
0x2b: {  	s6 =	sld [smem:$0x3FAC]  }
0x2c: {  	s7 =	sld [smem:$0x3FAD]  }
0x2d: {  	s3 =	simm.s32 $0x108;
	s8 =	sld [smem:$0x3FAE]  }
0x2e: {  	s3 =	simm.s32 @!p0 $0x1082;
	s9 =	sld [smem:$0x3FAF]  }
0x2f: {  	lr =	sadd.s32 s0, s3;
	s0 =	sld [smem:$0x3FA6]  }
0x30: {  	s3 =	sld [smem:$0x3FA9]  }
0x31: {  	[smem:$0x3FB2] =	sst s10  }
0x32: {  	s10 =	sld [smem:$0x3FB0];
	_ =	sdelay $0x3  }
0x33: {  	p0 =	seq.s32 s10, $0x1;
	s10 =	sld [smem:$0x3FB2];
	_ =	sdelay $0x3  }
0x34: {  	[smem:$0x3FB2] =	sst s10  }
0x35: {  	s10 =	sld [smem:$0x3FB1];
	_ =	sdelay $0x3  }
0x36: {  	p1 =	seq.s32 s10, $0x1;
	s10 =	sld [smem:$0x3FB2];
	_ =	sdelay $0x3  }
0x37: {  	[smem:$0x3FB2] =	sst s10  }
0x38: {  	s10 =	sld [smem:$0x3FB3]  }
0x39: {  	_ = 	snop;
	(pc) =	sbr.ind lr, $3  }
0x3a: {  	_ = 	snop  }
0x3b: {  	_ = 	snop  }
0x3c: {  	p2 =	seq.s32 s10, $0x1;
	s10 =	sld [smem:$0x3FB2]  }
0x3d: {  	_ =	shalt  }
0x3e: {  	_ =	shalt  }
0x3f: {  	_ =	shalt  }
0x40: {  	_ =	shalt  }
0x41: {  	_ =	shalt  }
0x42: {  	_ =	shalt  }
0x43: {  	_ =	shalt  }
0x44: {  	_ =	shalt  }
0x45: {  	_ =	shalt  }
0x46: {  	_ =	shalt  }
0x47: {  	_ =	shalt  }
0x48: {  	_ =	shalt  }
0x49: {  	_ =	shalt  }
0x4a: {  	_ =	shalt  }
0x4b: {  	_ =	shalt  }
0x4c: {  	_ =	shalt  }
0x4d: {  	_ =	shalt  }
0x4e: {  	_ =	shalt  }
0x4f: {  	_ =	shalt  }
0x50: {  	_ =	shalt  }
0x51: {  	_ =	shalt  }
0x52: {  	_ =	shalt  }
0x53: {  	_ =	shalt  }
0x54: {  	_ =	shalt  }
0x55: {  	_ =	shalt  }
0x56: {  	_ =	shalt  }
0x57: {  	_ =	shalt  }
0x58: {  	_ =	shalt  }
0x59: {  	_ =	shalt  }
0x5a: {  	_ =	shalt  }
0x5b: {  	_ =	shalt  }
0x5c: {  	_ =	shalt  }
0x5d: {  	_ =	shalt  }
0x5e: {  	_ =	shalt  }
0x5f: {  	_ =	shalt  }
0x60: {  	_ =	shalt  }
0x61: {  	_ =	shalt  }
0x62: {  	_ =	shalt  }
0x63: {  	_ =	shalt  }
0x64: {  	_ =	shalt  }
0x65: {  	_ =	shalt  }
0x66: {  	_ =	shalt  }
0x67: {  	_ =	shalt  }
0x68: {  	_ =	shalt  }
0x69: {  	_ =	shalt  }
0x6a: {  	_ =	shalt  }
0x6b: {  	_ =	shalt  }
0x6c: {  	_ =	shalt  }
0x6d: {  	_ =	shalt  }
0x6e: {  	_ =	shalt  }
0x6f: {  	_ =	shalt  }
0x70: {  	_ =	shalt  }
0x71: {  	_ =	shalt  }
0x72: {  	_ =	shalt  }
0x73: {  	_ =	shalt  }
0x74: {  	_ =	shalt  }
0x75: {  	_ =	shalt  }
0x76: {  	_ =	shalt  }
0x77: {  	_ =	shalt  }
0x78: {  	_ =	shalt  }
0x79: {  	_ =	shalt  }
0x7a: {  	_ =	shalt  }
0x7b: {  	_ =	shalt  }
0x7c: {  	_ =	shalt  }
0x7d: {  	_ =	shalt  }
0x7e: {  	_ =	shalt  }
0x7f: {  	_ =	shalt  }
0x80: {  	_ =	shalt  }
0x81: {  	_ =	shalt  }
0x82: {  	_ =	shalt  }
0x83: {  	_ =	shalt  }
0x84: {  	_ =	shalt  }
0x85: {  	_ =	shalt  }
0x86: {  	_ =	shalt  }
0x87: {  	_ =	shalt  }
.Lfunc_end0:
.L_simem_size_0:
called_computation_lowered:
.L_overlay_start_0:
0x88: {  	s2 =	sld [smem:$0x3FD9]  }
0x89: {  	s3 =	sld [smem:$0x3FFE];
	_ =	sdelay $0x1  }
0x8a: {  	s1 =	srdreg.scid  }
0x8b: {  	s0 =	sand.u32 $0x1, s1  }
0x8c: {  	s17 =	sshll.u32 s0, $0xA;
	s2 =	sadd.s32 s3, s2  }
0x8d: {  	s2 =	sadd.s32 s2, s17  }
0x8e: {  	[smem:$0x3FBE] =	sst s2  }
0x8f: {  	_ = 	snop  }
0x90: {  	s2 =	sld [smem:$0x3FC9];
	(tm) =	ssettm $0x1  }
0x91: {  	s18 =	sld [smem:$0x3FFB];
	_ =	sdelay $0x3  }
0x92: {  	_ =	strace s18  }
0x93: {  	s3 =	sld [smem:$0x3FFC];
	_ =	sdelay $0x3  }
0x94: {  	_ =	strace s3  }
0x95: {  	s3 =	sld [smem:$0x3FFD];
	_ =	sdelay $0x3  }
0x96: {  	_ =	strace s3  }
0x97: {  	_ =	strace $0x8FFFFFFF  }
0x98: {  	s19 =	sld [smem:$0x3FDB];
	_ =	sdelay $0x1  }
0x99: {  	s4 =	simm.s32 $_scs_section_size  }
0x9a: {  	s5 =	simm.s32 $_size__tile_overlayer_lowered;
	s6 =	simm.s32 $_tile_overlayer_lowered  }
0x9b: {  	s22 =	simm.s32 $0x1BFF;
	s21 =	sshll.u32 s6, $0x1;
	s3 =	sadd.s32 s4, s19  }
0x9c: {  	s7 =	simm.s32 $0x0;
	s20 =	sshll.u32 s5, $0x1;
	s5 =	sadd.s32 s21, s3  }
0x9d: {  	[timem:s7], [sflag:s22] =	dma.local [hbm:s5], s20  }
0x9e: {  	_ =	swait.ge [sflag:s22], s20  }
0x9f: {  	s4 =	ssub.s32 $0x0, s20;
	[sflag:s22] =	ssyncset.done $0x0  }
0xa0: {  	[sflag:s22] =	ssyncadd.s32 s4;
	_ =	sdelay $0x1  }
0xa1: {  	s23 =	simm.s32 $0x1B8B  }
0xa2: {  	_ =	swait.ge [sflag:s23], $0x1  }
0xa3: {  	[sflag:s23] =	ssyncset.done $0x0  }
0xa4: {  	s25 =	simm.s32 $0x1B8E;
	s24 =	sld [smem:$0x3FFE];
	[sflag:s23] =	ssyncadd.s32 $0xFFFFFFFF  }
0xa5: {  	s26 =	simm.s32 $execute0_lowered;
	[smem:$0x3FD2] =	sst s25  }
0xa6: {  	s5 =	sshll.u32 s26, $0x1;
	_ =	strace $0x80000046;
	[dreg:$0x1] =	wrdreg $0xFFFFFFFF  }
0xa7: {  	s28 =	simm.s32 $_size_execute0_lowered;
	s3 =	sadd.s32 s3, s5;
	[dreg:$0x0] =	wrdreg $0x0  }
0xa8: {  	s5 =	sshll.u32 s28, $0x1;
	[dreg:$0x2] =	wrdreg s3  }
0xa9: {  	[dreg:$0x3] =	wrdreg s5  }
0xaa: {  	[dreg:$0x4] =	wrdreg $0xC0  }
0xab: {  	_ =	task [dreg:s7], $0x5FFFF  }
0xac: {  	[dreg:$0x1] =	wrdreg $0xFFFFFFFF  }
0xad: {  	[dreg:$0x0] =	wrdreg $0x60  }
0xae: {  	[dreg:$0x2] =	wrdreg s2  }
0xaf: {  	[dreg:$0x3] =	wrdreg s24  }
0xb0: {  	[dreg:$0x4] =	wrdreg $0xA8000  }
0xb1: {  	[dreg:$0x5] =	wrdreg $0x9  }
0xb2: {  	_ =	task.clear_ibuf [dreg:s7], $0x6FFFF;
	_ =	strace $0x90000046  }
0xb3: {  	s29 =	simm.s32 $0x9;
	_ =	strace $0x80000048  }
0xb4: {  	_ =	swait.ge [sflag:s29], $0x1  }
0xb5: {  	[sflag:s29] =	ssyncadd.s32 $0xFFFFFFFF  }
0xb6: {  	_ =	strace $0x90000048  }
0xb7: {  	_ =	sfence  }
0xb8: {  	s30 =	sld [smem:$0x0];
	_ =	sdelay $0x2  }
0xb9: {  	s31 =	sshll.u32 s1, $0xD;
	s1 =	sshrl.u32 s1, $0x2  }
0xba: {  	s3 =	sand.u32 $0x4000, s31;
	s1 =	sadd.s32 s1, s30  }
0xbb: {  	s0 =	sor.u32 s3, s0;
	s1 =	sshll.u32 s1, $0x11  }
0xbc: {  	s0 =	sor.u32 s1, s0  }
0xbd: {  	s0 =	sadd.s32 $0x8F2B, s0  }
0xbe: {  	[sflag:s0] =	ssyncadd.remote.s32 $0x1  }
0xbf: {  	_ =	sfence.sel $0xFFFF  }
0xc0: {  	[dreg:$0x0] =	wrdreg $0xFFFFFFFF;
	(pc) =	sbr.abs _section_cstart, $3  }
0xc1: {  	[dreg:$0x1] =	wrdreg $0xFFFFFFFF  }
0xc2: {  	_ =	task.clear_ibuf [dreg:s7], $0x2FFFF;
	_ =	strace $0x9FFFFFFF  }
0xc3: {  	(tm) =	ssettm $0x7FFFFFFF  }
tec
execute0_lowered:
.L_overlay_start_1:
0x0: {  	(tag) =	ssettag $0x1  }
0x1: {  	s1 =	rddreg [dreg:$0x0]  }
0x2: {  	s5 =	rddreg [dreg:$0x1]  }
0x3: {  	s2 =	rddreg [dreg:$0x2];
	s3 =	simm.s32 $0x0;
	s6 =	srdreg.scid  }
0x4: {  	s14 =	stileid.u32;
	s20 =	simm.s32 $0x6800;
	s21 =	simm.s32 $0x1  }
0x5: {  	[smem:$0x7FF] =	sst s3;
	s8 =	sadd.s32 $0x2000, s5;
	s9 =	sadd.s32 $0xC000, s5  }
0x6: {  	s4 =	sadd.s32 $0x16000, s5;
	s7 =	sand.u32 $0x1, s6;
	s12 =	smul.u32 $0x4E000, s14  }
0x7: {  	s11 =	sadd.s32 $0x18800, s5;
	s25 =	smul.u32 $0x2700, s14;
	s28 =	sshll.u32 s14, $0x6  }
0x8: {  	s17 =	sadd.s32 $0x138000, s2;
	p0 =	sne.s32 s14, $0x0;
	_ =	strace $0x80000047  }
0x9: {  	s22 =	ssub.s32 $0x2, s7;
	s10 =	sshll.u32 s7, $0x4;
	s18 =	smul.u32 $0x138800, s7  }
0xa: {  	s5 =	sor.u32 $0x1C03, s28;
	s19 =	smul.u32 $0x27100, s7;
	s23 =	sshrl.u32 s22, $0x1  }
0xb: {  	s24 =	sor.u32 s14, s10;
	s26 =	sshrl.u32 s12, $0x2;
	s10 =	sadd.s32 $0x138800, s2  }
0xc: {  	s13 =	ssub.s32 s22, s23;
	s15 =	smul.u32 $0x2800, s24;
	s16 =	sadd.s32 s26, s2  }
0xd: {  	s29 =	smul.u32 $0x500, s24;
	s30 =	sshrl.u32 s18, $0x3;
	s31 =	sadd.s32 s25, s19  }
0xe: {  	s18 =	simm.s32 $0x80;
	s19 =	simm.s32 $0x2800;
	s22 =	simm.s32 $0x2  }
0xf: {  	s23 =	simm.s32 $0x1380;
	s24 =	simm.s32 $0x2700;
	s25 =	simm.s32 $0x2780  }
0x10: {  	s26 =	simm.s32 $0x0;
	s12 =	sadd.s32 s11, s30;
	s11 =	sadd.s32 s11, s31  }
0x11: {  	s13 =	smax.u32 s13, $0x1;
	s14 =	sshrl.u32 s16, $0x3;
	s16 =	sshrl.u32 @!p0 s17, $0x3  }
0x12: {  	s17 =	simm.s32 $0x1400;
	s15 =	sshrl.u32 s15, $0x3;
	s6 =	sadd.s32 s8, s29  }
0x13: {  	s7 =	sadd.s32 s9, s29;
	s12 =	sadd.s32 $0x27000, s12;
	s15 =	sadd.s32 $0x280, s15  }
0x14: {  	s8 =	sadd.s32 s8, s15;
	s9 =	sadd.s32 s9, s15;
	s15 =	simm.s32 $0x3  }
.LBB2_1:
0x15: {  	[spmem:s14], [sflag:s5] =	dma.local [hbm:s4], $0x2700  }
0x16: {  	_ =	swait.ge [sflag:s15], $0x2700  }
0x17: {  	[sflag:s15] =	ssyncset.done $0x0  }
0x18: {  	s28 =	simm.s32 @!p0 $0x3;
	[sflag:s15] =	ssyncadd.s32 $0xFFFFD900  }
0x19: {  	[spmem:s16], [sflag:s5] =	dma.local @!p0 [hbm:s4], $0x100  }
0x1a: {  	_ =	swait.ge @!p0 [sflag:s28], $0x100  }
0x1b: {  	[sflag:s28] =	ssyncset.done @!p0 $0x0  }
0x1c: {  	[sflag:s28] =	ssyncadd.s32 @!p0 $0xFFFFFF00  }
0x1d: {  	[bflag:$0x0] =	sbarrier.arrive $0xFFFF  }
0x1e: {  	[tilespmem:s3], [sflag:$0x3] =	stream.linear.gather [hbm4b:s6+s3], $0x1400, $0x38;
	[tilespmem:$0x1E100] =	vst v63  }
0x1f: {  	_ =	swait.ge [sflag:s15], $0x1400  }
0x20: {  	[sflag:s15] =	ssyncset.done $0x0  }
0x21: {  	[sflag:s15] =	ssyncadd.s32 $0xFFFFEC00  }
0x22: {  	[tilespmem:s17], [sflag:$0x3] =	stream.linear.gather [hbm4b:s7+s3], $0x1400, $0x38;
	[tilespmem:$0x1E100] =	vst v63  }
0x23: {  	_ =	swait.ge [sflag:s15], $0x1400  }
0x24: {  	[sflag:s15] =	ssyncset.done $0x0  }
0x25: {  	[sflag:s15] =	ssyncadd.s32 $0xFFFFEC00  }
0x26: {  	[tilespmem:s19], [sflag:$0x1] =	stream.indirect.gather [hbm4b:s1+s18], $0x80, s3, s18, $0xb8;
	[tilespmem:$0x1E100] =	vst v63  }
0x27: {  	s28 =	simm.s32 $0x80  }
0x28: {  	[tilespmem:s20], [sflag:$0x2] =	stream.indirect.gather [hbm4b:s1+s18], $0x80, s28, s18, $0xb8;
	[tilespmem:$0x1E100] =	vst v63  }
0x29: {  	_ =	swait.ge [sflag:s21], $0x4000  }
0x2a: {  	[sflag:s21] =	ssyncset.done $0x0  }
0x2b: {  	s28 =	simm.s32 $0x1400;
	[sflag:s21] =	ssyncadd.s32 $0xFFFFC000  }
0x2c: {  	[spmem:s2] =	stream.indirect.scatter.add.f32 [tilespmem:s19], [sflag:$0x3], $0x80, s28, s18, $0xb8;
	[tilespmem:$0x1E100] =	vst v63  }
0x2d: {  	_ =	swait.ge [sflag:s15], $0x4000  }
0x2e: {  	[sflag:s15] =	ssyncset.done $0x0  }
0x2f: {  	s28 =	simm.s32 $0x100;
	[sflag:s15] =	ssyncadd.s32 $0xFFFFC000  }
0x30: {  	[tilespmem:s19], [sflag:$0x1] =	stream.indirect.gather [hbm4b:s1+s18], $0x80, s28, s18, $0xb8;
	[tilespmem:$0x1E100] =	vst v63  }
0x31: {  	_ =	swait.ge [sflag:s22], $0x4000  }
0x32: {  	[sflag:s22] =	ssyncset.done $0x0  }
0x33: {  	s28 =	simm.s32 $0x1480;
	[sflag:s22] =	ssyncadd.s32 $0xFFFFC000  }
0x34: {  	[spmem:s2] =	stream.indirect.scatter.add.f32 [tilespmem:s20], [sflag:$0x3], $0x80, s28, s18, $0xb8;
	[tilespmem:$0x1E100] =	vst v63  }
0x35: {  	_ =	swait.ge [sflag:s15], $0x4000  }
0x36: {  	s29 =	simm.s32 $0x800;
	s28 =	simm.s32 $0x100;
	[sflag:s15] =	ssyncset.done $0x0  }
.LBB2_2:
0x37: {  	s30 =	sadd.s32 $0x80, s28  }
0x38: {  	[sflag:s15] =	ssyncadd.s32 $0xFFFFC000;
	s31 =	smov.u32 s29;
	s0 =	sadd.s32 $0x400, s29  }
0x39: {  	[tilespmem:s20], [sflag:$0x2] =	stream.indirect.gather [hbm4b:s1+s18], $0x80, s30, s18, $0xb8;
	[tilespmem:$0x1E100] =	vst v63  }
0x3a: {  	p1 =	sne.s32 s29, $0x4800;
	_ =	swait.ge [sflag:s21], $0x4000  }
0x3b: {  	[sflag:s21] =	ssyncset.done $0x0  }
0x3c: {  	s29 =	sadd.s32 $0x1400, s28;
	[sflag:s21] =	ssyncadd.s32 $0xFFFFC000  }
0x3d: {  	[spmem:s2] =	stream.indirect.scatter.add.f32 [tilespmem:s19], [sflag:$0x3], $0x80, s29, s18, $0xb8;
	[tilespmem:$0x1E100] =	vst v63  }
0x3e: {  	_ =	swait.ge [sflag:s15], $0x4000  }
0x3f: {  	[sflag:s15] =	ssyncset.done $0x0  }
0x40: {  	s29 =	sadd.s32 $0x100, s28;
	[sflag:s15] =	ssyncadd.s32 $0xFFFFC000  }
0x41: {  	[tilespmem:s19], [sflag:$0x1] =	stream.indirect.gather [hbm4b:s1+s18], $0x80, s29, s18, $0xb8;
	[tilespmem:$0x1E100] =	vst v63  }
0x42: {  	_ =	swait.ge [sflag:s22], $0x4000  }
.Ltmp0:
0x43: {  	[sflag:s22] =	ssyncset.done $0x0;
	(pc) =	sbr.rel @p1 .LBB2_2-.Ltmp0, $4  }
0x44: {  	s28 =	sadd.s32 $0x1480, s28;
	[sflag:s22] =	ssyncadd.s32 $0xFFFFC000  }
0x45: {  	[spmem:s2] =	stream.indirect.scatter.add.f32 [tilespmem:s20], [sflag:$0x3], $0x80, s28, s18, $0xb8;
	[tilespmem:$0x1E100] =	vst v63  }
0x46: {  	_ =	swait.ge [sflag:s15], $0x4000  }
0x47: {  	s29 =	smov.u32 s0;
	s28 =	sshra.s32 s31, $0x2;
	[sflag:s15] =	ssyncset.done $0x0  }
0x48: {  	s0 =	sadd.s32 $0x80, s28;
	[sflag:s15] =	ssyncadd.s32 $0xFFFFC000  }
0x49: {  	[tilespmem:s20], [sflag:$0x2] =	stream.indirect.gather [hbm4b:s1+s18], $0x80, s0, s18, $0xb8;
	[tilespmem:$0x1E100] =	vst v63  }
0x4a: {  	_ =	swait.ge [sflag:s21], $0x4000  }
0x4b: {  	[sflag:s21] =	ssyncset.done $0x0  }
0x4c: {  	s30 =	sadd.s32 $0x1400, s28;
	[sflag:s21] =	ssyncadd.s32 $0xFFFFC000  }
0x4d: {  	[spmem:s2] =	stream.indirect.scatter.add.f32 [tilespmem:s19], [sflag:$0x3], $0x80, s30, s18, $0xb8;
	[tilespmem:$0x1E100] =	vst v63  }
0x4e: {  	_ =	swait.ge [sflag:s15], $0x4000  }
0x4f: {  	[sflag:s15] =	ssyncset.done $0x0  }
0x50: {  	s31 =	sadd.s32 $0x100, s28;
	[sflag:s15] =	ssyncadd.s32 $0xFFFFC000  }
0x51: {  	[tilespmem:s19], [sflag:$0x1] =	stream.indirect.gather [hbm4b:s1+s18], $0x80, s31, s18, $0xb8;
	[tilespmem:$0x1E100] =	vst v63  }
0x52: {  	_ =	swait.ge [sflag:s22], $0x4000  }
0x53: {  	[sflag:s22] =	ssyncset.done $0x0  }
0x54: {  	s30 =	sadd.s32 $0x1480, s28;
	[sflag:s22] =	ssyncadd.s32 $0xFFFFC000  }
0x55: {  	[spmem:s2] =	stream.indirect.scatter.add.f32 [tilespmem:s20], [sflag:$0x3], $0x80, s30, s18, $0xb8;
	[tilespmem:$0x1E100] =	vst v63  }
0x56: {  	_ =	swait.ge [sflag:s15], $0x4000  }
0x57: {  	[sflag:s15] =	ssyncset.done $0x0  }
0x58: {  	[sflag:s15] =	ssyncadd.s32 $0xFFFFC000  }
0x59: {  	[tilespmem:s20], [sflag:$0x2] =	stream.indirect.gather [hbm4b:s1+s18], $0x80, s23, s18, $0xb8;
	[tilespmem:$0x1E100] =	vst v63  }
0x5a: {  	_ =	swait.ge [sflag:s21], $0x4000  }
0x5b: {  	[sflag:s21] =	ssyncset.done $0x0  }
0x5c: {  	[sflag:s21] =	ssyncadd.s32 $0xFFFFC000  }
0x5d: {  	[spmem:s2] =	stream.indirect.scatter.add.f32 [tilespmem:s19], [sflag:$0x3], $0x80, s24, s18, $0xb8;
	[tilespmem:$0x1E100] =	vst v63  }
0x5e: {  	_ =	swait.ge [sflag:s15], $0x4000  }
0x5f: {  	[sflag:s15] =	ssyncset.done $0x0  }
0x60: {  	[sflag:s15] =	ssyncadd.s32 $0xFFFFC000  }
0x61: {  	_ =	swait.ge [sflag:s22], $0x4000  }
0x62: {  	[sflag:s22] =	ssyncset.done $0x0  }
0x63: {  	[sflag:s22] =	ssyncadd.s32 $0xFFFFC000  }
0x64: {  	[spmem:s2] =	stream.indirect.scatter.add.f32 [tilespmem:s20], [sflag:$0x3], $0x80, s25, s18, $0xb8;
	[tilespmem:$0x1E100] =	vst v63  }
0x65: {  	_ =	swait.ge [sflag:s15], $0x4000  }
0x66: {  	[sflag:s15] =	ssyncset.done $0x0  }
0x67: {  	s31 =	simm.s32 $0x0;
	[sflag:s15] =	ssyncadd.s32 $0xFFFFC000  }
0x68: {  	[tilespmem:s31], [sflag:$0x3] =	stream.linear.gather [hbm4b:s8+s31], $0x1400, $0x38;
	[tilespmem:$0x1E100] =	vst v63  }
0x69: {  	_ =	swait.ge [sflag:s15], $0x1400  }
0x6a: {  	[sflag:s15] =	ssyncset.done $0x0  }
0x6b: {  	[sflag:s15] =	ssyncadd.s32 $0xFFFFEC00  }
0x6c: {  	[tilespmem:s17], [sflag:$0x3] =	stream.linear.gather [hbm4b:s9+s31], $0x1400, $0x38;
	[tilespmem:$0x1E100] =	vst v63  }
0x6d: {  	_ =	swait.ge [sflag:s15], $0x1400  }
0x6e: {  	[sflag:s15] =	ssyncset.done $0x0  }
0x6f: {  	[sflag:s15] =	ssyncadd.s32 $0xFFFFEC00  }
0x70: {  	[tilespmem:s19], [sflag:$0x1] =	stream.indirect.gather [hbm4b:s1+s18], $0x80, s31, s18, $0xb8;
	[tilespmem:$0x1E100] =	vst v63  }
0x71: {  	s30 =	simm.s32 $0x80  }
0x72: {  	[tilespmem:s20], [sflag:$0x2] =	stream.indirect.gather [hbm4b:s1+s18], $0x80, s30, s18, $0xb8;
	[tilespmem:$0x1E100] =	vst v63  }
0x73: {  	_ =	swait.ge [sflag:s21], $0x4000  }
0x74: {  	[sflag:s21] =	ssyncset.done $0x0  }
0x75: {  	s31 =	simm.s32 $0x1400;
	[sflag:s21] =	ssyncadd.s32 $0xFFFFC000  }
0x76: {  	[spmem:s2] =	stream.indirect.scatter.add.f32 [tilespmem:s19], [sflag:$0x3], $0x80, s31, s18, $0xb8;
	[tilespmem:$0x1E100] =	vst v63  }
0x77: {  	_ =	swait.ge [sflag:s15], $0x4000  }
0x78: {  	[sflag:s15] =	ssyncset.done $0x0  }
0x79: {  	s30 =	simm.s32 $0x100;
	[sflag:s15] =	ssyncadd.s32 $0xFFFFC000  }
0x7a: {  	[tilespmem:s19], [sflag:$0x1] =	stream.indirect.gather [hbm4b:s1+s18], $0x80, s30, s18, $0xb8;
	[tilespmem:$0x1E100] =	vst v63  }
0x7b: {  	_ =	swait.ge [sflag:s22], $0x4000  }
0x7c: {  	[sflag:s22] =	ssyncset.done $0x0  }
0x7d: {  	s31 =	simm.s32 $0x1480;
	[sflag:s22] =	ssyncadd.s32 $0xFFFFC000  }
0x7e: {  	[spmem:s2] =	stream.indirect.scatter.add.f32 [tilespmem:s20], [sflag:$0x3], $0x80, s31, s18, $0xb8;
	[tilespmem:$0x1E100] =	vst v63  }
0x7f: {  	_ =	swait.ge [sflag:s15], $0x4000  }
0x80: {  	s29 =	simm.s32 $0x800;
	s28 =	simm.s32 $0x100;
	[sflag:s15] =	ssyncset.done $0x0  }
.LBB2_4:
0x81: {  	s0 =	sadd.s32 $0x80, s28  }
0x82: {  	[sflag:s15] =	ssyncadd.s32 $0xFFFFC000;
	s30 =	smov.u32 s29;
	s31 =	sadd.s32 $0x400, s29  }
0x83: {  	[tilespmem:s20], [sflag:$0x2] =	stream.indirect.gather [hbm4b:s1+s18], $0x80, s0, s18, $0xb8;
	[tilespmem:$0x1E100] =	vst v63  }
0x84: {  	p1 =	sne.s32 s29, $0x4800;
	_ =	swait.ge [sflag:s21], $0x4000  }
0x85: {  	[sflag:s21] =	ssyncset.done $0x0  }
0x86: {  	s0 =	sadd.s32 $0x1400, s28;
	[sflag:s21] =	ssyncadd.s32 $0xFFFFC000  }
0x87: {  	[spmem:s2] =	stream.indirect.scatter.add.f32 [tilespmem:s19], [sflag:$0x3], $0x80, s0, s18, $0xb8;
	[tilespmem:$0x1E100] =	vst v63  }
0x88: {  	_ =	swait.ge [sflag:s15], $0x4000  }
0x89: {  	[sflag:s15] =	ssyncset.done $0x0  }
0x8a: {  	s0 =	sadd.s32 $0x100, s28;
	[sflag:s15] =	ssyncadd.s32 $0xFFFFC000  }
0x8b: {  	[tilespmem:s19], [sflag:$0x1] =	stream.indirect.gather [hbm4b:s1+s18], $0x80, s0, s18, $0xb8;
	[tilespmem:$0x1E100] =	vst v63  }
0x8c: {  	_ =	swait.ge [sflag:s22], $0x4000  }
.Ltmp1:
0x8d: {  	[sflag:s22] =	ssyncset.done $0x0;
	(pc) =	sbr.rel @p1 .LBB2_4-.Ltmp1, $4  }
0x8e: {  	s0 =	sadd.s32 $0x1480, s28;
	[sflag:s22] =	ssyncadd.s32 $0xFFFFC000  }
0x8f: {  	[spmem:s2] =	stream.indirect.scatter.add.f32 [tilespmem:s20], [sflag:$0x3], $0x80, s0, s18, $0xb8;
	[tilespmem:$0x1E100] =	vst v63  }
0x90: {  	_ =	swait.ge [sflag:s15], $0x4000  }
0x91: {  	s29 =	smov.u32 s31;
	s28 =	sshra.s32 s30, $0x2;
	[sflag:s15] =	ssyncset.done $0x0  }
0x92: {  	s0 =	sadd.s32 $0x80, s28;
	[sflag:s15] =	ssyncadd.s32 $0xFFFFC000  }
0x93: {  	[tilespmem:s20], [sflag:$0x2] =	stream.indirect.gather [hbm4b:s1+s18], $0x80, s0, s18, $0xb8;
	[tilespmem:$0x1E100] =	vst v63  }
0x94: {  	_ =	swait.ge [sflag:s21], $0x4000  }
0x95: {  	[sflag:s21] =	ssyncset.done $0x0  }
0x96: {  	s29 =	sadd.s32 $0x1400, s28;
	[sflag:s21] =	ssyncadd.s32 $0xFFFFC000  }
0x97: {  	[spmem:s2] =	stream.indirect.scatter.add.f32 [tilespmem:s19], [sflag:$0x3], $0x80, s29, s18, $0xb8;
	[tilespmem:$0x1E100] =	vst v63  }
0x98: {  	_ =	swait.ge [sflag:s15], $0x4000  }
0x99: {  	[sflag:s15] =	ssyncset.done $0x0  }
0x9a: {  	s30 =	sadd.s32 $0x100, s28;
	[sflag:s15] =	ssyncadd.s32 $0xFFFFC000  }
0x9b: {  	[tilespmem:s19], [sflag:$0x1] =	stream.indirect.gather [hbm4b:s1+s18], $0x80, s30, s18, $0xb8;
	[tilespmem:$0x1E100] =	vst v63  }
0x9c: {  	_ =	swait.ge [sflag:s22], $0x4000  }
0x9d: {  	[sflag:s22] =	ssyncset.done $0x0  }
0x9e: {  	s31 =	sadd.s32 $0x1480, s28;
	[sflag:s22] =	ssyncadd.s32 $0xFFFFC000  }
0x9f: {  	[spmem:s2] =	stream.indirect.scatter.add.f32 [tilespmem:s20], [sflag:$0x3], $0x80, s31, s18, $0xb8;
	[tilespmem:$0x1E100] =	vst v63  }
0xa0: {  	_ =	swait.ge [sflag:s15], $0x4000  }
0xa1: {  	[sflag:s15] =	ssyncset.done $0x0  }
0xa2: {  	[sflag:s15] =	ssyncadd.s32 $0xFFFFC000  }
0xa3: {  	[tilespmem:s20], [sflag:$0x2] =	stream.indirect.gather [hbm4b:s1+s18], $0x80, s23, s18, $0xb8;
	[tilespmem:$0x1E100] =	vst v63  }
0xa4: {  	_ =	swait.ge [sflag:s21], $0x4000  }
0xa5: {  	[sflag:s21] =	ssyncset.done $0x0  }
0xa6: {  	[sflag:s21] =	ssyncadd.s32 $0xFFFFC000  }
0xa7: {  	[spmem:s2] =	stream.indirect.scatter.add.f32 [tilespmem:s19], [sflag:$0x3], $0x80, s24, s18, $0xb8;
	[tilespmem:$0x1E100] =	vst v63  }
0xa8: {  	_ =	swait.ge [sflag:s15], $0x4000  }
0xa9: {  	[sflag:s15] =	ssyncset.done $0x0  }
0xaa: {  	[sflag:s15] =	ssyncadd.s32 $0xFFFFC000  }
0xab: {  	_ =	swait.ge [sflag:s22], $0x4000  }
0xac: {  	[sflag:s22] =	ssyncset.done $0x0  }
0xad: {  	[sflag:s22] =	ssyncadd.s32 $0xFFFFC000  }
0xae: {  	[spmem:s2] =	stream.indirect.scatter.add.f32 [tilespmem:s20], [sflag:$0x3], $0x80, s25, s18, $0xb8;
	[tilespmem:$0x1E100] =	vst v63  }
0xaf: {  	_ =	swait.ge [sflag:s15], $0x4000  }
0xb0: {  	[sflag:s15] =	ssyncset.done $0x0  }
0xb1: {  	[sflag:s15] =	ssyncadd.s32 $0xFFFFC000  }
0xb2: {  	[spmem:s10] =	stream.linear.scatter [tilespmem:s19], [sflag:$0x3], $0x800, $0x38;
	[tilespmem:$0x1E100] =	vst v63  }
0xb3: {  	_ =	swait.ge [sflag:s15], $0x800  }
0xb4: {  	[sflag:s15] =	ssyncset.done $0x0  }
0xb5: {  	[sflag:s15] =	ssyncadd.s32 $0xFFFFF800  }
0xb6: {  	[bflag:$0x0] =	sbarrier.arrive $0xFFFF  }
0xb7: {  	_ =	sdelay $0x7ff  }
0xb8: {  	_ =	sdelay $0x7ff  }
0xb9: {  	_ =	sdelay $0x5ad  }
0xba: {  	[hbm:s11], [sflag:s5] =	dma.local [spmem:s14], $0x2700  }
0xbb: {  	s26 =	sadd.s32 $0x1, s26;
	_ =	swait.ge [sflag:s15], $0x2700  }
0xbc: {  	p1 =	sne.s32 s26, s13;
	[sflag:s15] =	ssyncset.done $0x0  }
.Ltmp2:
0xbd: {  	s0 =	simm.s32 @!p0 $0x3;
	[sflag:s15] =	ssyncadd.s32 $0xFFFFD900;
	(pc) =	sbr.rel @p1 .LBB2_1-.Ltmp2, $4  }
0xbe: {  	[hbm:s12], [sflag:s5] =	dma.local @!p0 [spmem:s16], $0x100  }
0xbf: {  	_ =	swait.ge @!p0 [sflag:s0], $0x100  }
0xc0: {  	[sflag:s0] =	ssyncset.done @!p0 $0x0  }
0xc1: {  	[sflag:s0] =	ssyncadd.s32 @!p0 $0xFFFFFF00  }
0xc2: {  	_ =	sfence.sel $0x180000  }
0xc3: {  	[bflag:$0x0] =	sbarrier.arrive $0xFFFF  }
0xc4: {  	_ =	strace $0x90000047  }
0xc5: {  	[bflag:$0x2] =	sbarrier.arrive $0xFFFF  }
0xc6: {  	s0 =	rddreg [dreg:$0x3]  }
0xc7: {  	s0 =	sadd.s32 @!p0 $0x100000, s0  }
0xc8: {  	[sflag:s0] =	ssyncadd.tile.s32 @!p0 $0x1;
	_ =	shalt  }
.Lfunc_end2:
_tile_overlayer_lowered:
.L_overlay_start_2:
0xc9: {  	(tag) =	ssettag $0x2  }
0xca: {  	s0 =	rddreg [dreg:$0x0];
	s2 =	stileid.u32  }
0xcb: {  	s1 =	rddreg [dreg:$0x1];
	p0 =	sne.s32 s2, $0x0  }
0xcc: {  	s3 =	rddreg [dreg:$0x2];
	[bflag:$0x3] =	sbarrier.arrive $0xFFFF;
	s2 =	simm.s32 @!p0 $0x1C03  }
0xcd: {  	[timem:s3], [sflag:s2] =	dma.local @!p0 [hbm:s0], s1  }
0xce: {  	s0 =	simm.s32 @!p0 $0x3  }
0xcf: {  	_ =	swait.ge @!p0 [sflag:s0], s1  }
0xd0: {  	s1 =	ssub.s32 @!p0 $0x0, s1;
	[sflag:s0] =	ssyncset.done @!p0 $0x0  }
0xd1: {  	[sflag:s0] =	ssyncadd.s32 @!p0 s1  }
0xd2: {  	[bflag:$0x3] =	sbarrier.arrive $0xFFFF  }
0xd3: {  	_ =	shalt  }

</sc_bundles>
